<compile_context>
chip_gen: v7x
topology: tpu7x:2x2x1
jax: 0.10.2.dev20260603
libtpu: 0.0.44.dev20260713+nightly
codegen_flags: <defaults>
</compile_context>

<pallas_src>
import functools
import math

import jax
import jax.numpy as jnp
from jax import lax
from jax.experimental import pallas as pl
from jax.experimental.pallas import tpu as pltpu
from jax.experimental.pallas import tpu_sc as plsc

_LANES = 16
_CHUNK = 128


def _positional_encoding(seq_len, d_model):
    position = jnp.arange(seq_len, dtype=jnp.float32)[:, None]
    div_term = jnp.exp(
        jnp.arange(0, d_model, 2, dtype=jnp.float32)
        * (-math.log(10000.0) / d_model)
    )
    pe = jnp.zeros((seq_len, d_model), dtype=jnp.float32)
    pe = pe.at[:, 0::2].set(jnp.sin(position * div_term))
    pe = pe.at[:, 1::2].set(jnp.cos(position * div_term))
    return pe


@functools.lru_cache(maxsize=None)
def _make_gather(vocab, seq_len, batch, d_model):
    info = plsc.get_sparse_core_info()
    nc, ns = info.num_cores, info.num_subcores
    nw = nc * ns
    n_rows = seq_len * batch
    n_items = n_rows // _CHUNK
    assert n_items % nw == 0
    items_per_w = n_items // nw
    assert items_per_w % 2 == 0
    assert _CHUNK < seq_len
    mesh = plsc.VectorSubcoreMesh(core_axis_name="c", subcore_axis_name="s")

    @functools.partial(
        pl.kernel,
        mesh=mesh,
        out_type=jax.ShapeDtypeStruct((n_rows, d_model), jnp.float32),
        scratch_types=[
            pltpu.VMEM((items_per_w, _CHUNK), jnp.int32),
            pltpu.VMEM((_CHUNK, 128), jnp.float32),
            pltpu.VMEM((_CHUNK, 128), jnp.float32),
            pltpu.VMEM((_CHUNK, d_model), jnp.float32),
            pltpu.VMEM((_CHUNK, d_model), jnp.float32),
            pltpu.VMEM((seq_len, 128), jnp.float32),
            pltpu.SemaphoreType.DMA,
            pltpu.SemaphoreType.DMA,
            pltpu.SemaphoreType.DMA,
            pltpu.SemaphoreType.DMA,
        ],
        compiler_params=pltpu.CompilerParams(use_tc_tiling_on_sc=True),
    )
    def gather_k(
        idx_hbm, tab_hbm, pe_hbm, out_hbm,
        idx_v, rows0, rows1, acc0, acc1, pe_v,
        gsem0, gsem1, wsem0, wsem1,
    ):
        rows = (rows0, rows1)
        acc = (acc0, acc1)
        gsem = (gsem0, gsem1)
        wsem = (wsem0, wsem1)
        wid = lax.axis_index("s") * nc + lax.axis_index("c")
        base = wid * items_per_w
        pltpu.sync_copy(pe_hbm, pe_v)
        pltpu.sync_copy(idx_hbm.at[wid], idx_v)

        def fire(item, buf):
            pltpu.async_copy(tab_hbm.at[idx_v.at[item]], rows[buf], gsem[buf])

        def drain_gather(buf):
            pltpu.make_async_copy(
                tab_hbm.at[pl.ds(0, _CHUNK)], rows[buf], gsem[buf]
            ).wait()

        def drain_write(buf):
            pltpu.make_async_copy(
                acc[buf], out_hbm.at[pl.ds(0, _CHUNK)], wsem[buf]
            ).wait()

        fire(0, 0)

        def pair_body(k2, carry):
            for b2 in (0, 1):
                k = k2 * 2 + b2
                nxt = (b2 + 1) % 2
                if b2 == 0:
                    fire(k + 1, nxt)
                else:

                    @pl.when(k2 < items_per_w // 2 - 1)
                    def _():
                        fire(k + 1, nxt)

                drain_gather(b2)
                off = (base + k) * _CHUNK
                p0 = lax.rem(off, seq_len)

                def row_body(i, c2):
                    p = p0 + i
                    p = lax.select(p >= seq_len, p - seq_len, p)
                    for j in range(d_model // _LANES):
                        sl = pl.ds(_LANES * j, _LANES)
                        acc[b2][i, sl] = rows[b2][i, sl] + pe_v[p, sl]
                    return c2

                lax.fori_loop(0, _CHUNK, row_body, 0, unroll=4)

                @pl.when(k2 > 0)
                def _():
                    drain_write(b2)

                pltpu.async_copy(
                    acc[b2], out_hbm.at[pl.ds(off, _CHUNK)], wsem[b2]
                )
            return carry

        lax.fori_loop(0, items_per_w // 2, pair_body, 0)
        drain_write(0)
        drain_write(1)

    return gather_k


def kernel(x, table):
    b, l = x.shape
    v, d = table.shape
    info = plsc.get_sparse_core_info()
    nw = info.num_cores * info.num_subcores
    items_per_w = b * l // (_CHUNK * nw)
    idx3d = x.reshape(nw, items_per_w, _CHUNK).astype(jnp.int32)
    tpad = jnp.pad(table, ((0, 0), (0, 128 - d)))
    pe = _positional_encoding(l, d)
    pe_pad = jnp.pad(pe, ((0, 0), (0, 128 - d)))
    gather_k = _make_gather(v, l, b, d)
    out = gather_k(idx3d, tpad, pe_pad)
    return out.reshape(b, l, d)

# --- scband reference (transcript-rebuilt; emitter-appended) ---
"""Pipeline reference for scband-embedding-13417477832994 (READ-ONLY COPY).

The authoritative reference and input builder live on the scoring server;
editing this copy changes nothing except your own understanding.
"""

import jax, jax.numpy as jnp
import numpy as np
import math

VOCAB = 1000000
D_MODEL = 64
B = 1024
L = 200

def _sinusoidal_pe(seq_len, d_model):
    position = jnp.arange(seq_len, dtype=jnp.float32)[:, None]
    div_term = jnp.exp(jnp.arange(0, d_model, 2, dtype=jnp.float32) * (-math.log(10000.0) / d_model))
    pe = jnp.zeros((seq_len, d_model), dtype=jnp.float32)
    pe = pe.at[:, 0::2].set(jnp.sin(position * div_term))
    pe = pe.at[:, 1::2].set(jnp.cos(position * div_term))
    return pe

def setup_inputs(seed: int = 0) -> dict:
    key = jax.random.key(seed)
    k1, k2 = jax.random.split(key)
    x = jax.random.randint(k1, (B, L), 0, VOCAB, dtype=jnp.int64 if jax.config.read('jax_enable_x64') else jnp.int32)
    table = jax.random.normal(k2, (VOCAB, D_MODEL), dtype=jnp.float32) * 0.02
    return {"x": x, "table": table}

def reference(x, table):
    # embedding lookup (gather)
    emb = jnp.take(table, x, axis=0)  # [B, L, D]
    # positional encoding added to the embedding
    pe = _sinusoidal_pe(x.shape[1], table.shape[1])  # [L, D]
    return emb + pe[None, :, :]

if __name__ == "__main__":
    import jax
    _d = setup_inputs()
    print(jax.jit(kernel)(*tuple(_d.values())))

</pallas_src>

<mosaic_0001>
#map = affine_map<(d0, d1) -> (0, 0, 0)>
#map1 = affine_map<(d0, d1) -> (0, 0)>
module attributes {stable_mosaic.version = 14 : i64} {
  func.func @gather_k(%arg0: i32, %arg1: i32, %arg2: memref<32x50x128xi32, #tpu.memory_space<hbm>>, %arg3: memref<1000000x128xf32, #tpu.memory_space<hbm>>, %arg4: memref<200x128xf32, #tpu.memory_space<hbm>>, %arg5: memref<204800x64xf32, #tpu.memory_space<hbm>>, %arg6: memref<50x128xi32, #tpu.memory_space<vmem>>, %arg7: memref<128x128xf32, #tpu.memory_space<vmem>>, %arg8: memref<128x128xf32, #tpu.memory_space<vmem>>, %arg9: memref<128x64xf32, #tpu.memory_space<vmem>>, %arg10: memref<128x64xf32, #tpu.memory_space<vmem>>, %arg11: memref<200x128xf32, #tpu.memory_space<vmem>>, %arg12: memref<!tpu.dma_semaphore, #tpu.memory_space<semaphore_mem>>, %arg13: memref<!tpu.dma_semaphore, #tpu.memory_space<semaphore_mem>>, %arg14: memref<!tpu.dma_semaphore, #tpu.memory_space<semaphore_mem>>, %arg15: memref<!tpu.dma_semaphore, #tpu.memory_space<semaphore_mem>>) attributes {dimension_semantics = [#tpu.dimension_semantics<core_parallel>, #tpu.dimension_semantics<subcore_parallel>], iteration_bounds = array<i64: 2, 16>, scalar_prefetch = 0 : i64, scratch_operands = 10 : i64, tpu.core_type = #tpu.core_type<sc_vector_subcore>, window_params = [{transform_indices = #map}, {transform_indices = #map1}, {transform_indices = #map1}, {transform_indices = #map1}]} {
    %mul3A = arith.constant 2 : i32
    %mul3A_0 = arith.muli %arg1, %mul3A : i32
    %add3A = arith.addi %mul3A_0, %arg0 : i32
    %mul3A_1 = arith.constant 50 : i32
    %mul3A_2 = arith.muli %add3A, %mul3A_1 : i32
    "tpu.region"() ({
      %run_scoped3A = tpu.sem_alloc : memref<!tpu.dma_semaphore, #tpu.memory_space<semaphore_mem>>
      tpu.enqueue_dma source(%arg4 : memref<200x128xf32, #tpu.memory_space<hbm>>) target(%arg11 : memref<200x128xf32, #tpu.memory_space<vmem>>) target_semaphore(%run_scoped3A : memref<!tpu.dma_semaphore, #tpu.memory_space<semaphore_mem>>)
      tpu.wait_dma2 semaphore(%run_scoped3A : memref<!tpu.dma_semaphore, #tpu.memory_space<semaphore_mem>>) src(%arg4 : memref<200x128xf32, #tpu.memory_space<hbm>>) dst(%arg11 : memref<200x128xf32, #tpu.memory_space<vmem>>)
      tpu.yield
    }) : () -> ()
    "tpu.region"() ({
      %run_scoped3A = tpu.sem_alloc : memref<!tpu.dma_semaphore, #tpu.memory_space<semaphore_mem>>
      %dma_start3A_25 = arith.constant 0 : i32
      %dma_start3A_26 = arith.constant 0 : i32
      %dma_start3A_27 = tpu.memref_slice %arg2[%add3A, %dma_start3A_25, %dma_start3A_26] : memref<32x50x128xi32, #tpu.memory_space<hbm>> -> memref<1x50x128xi32, #tpu.memory_space<hbm>>
      %dma_start3A_28 = tpu.memref_squeeze %dma_start3A_27 : memref<1x50x128xi32, #tpu.memory_space<hbm>> -> memref<50x128xi32, #tpu.memory_space<hbm>>
      %dma_start3A_29 = arith.constant 0 : i32
      %dma_start3A_30 = arith.constant 0 : i32
      %dma_start3A_31 = tpu.memref_slice %arg2[%add3A, %dma_start3A_29, %dma_start3A_30] : memref<32x50x128xi32, #tpu.memory_space<hbm>> -> memref<1x50x128xi32, #tpu.memory_space<hbm>>
      %dma_start3A_32 = tpu.memref_squeeze %dma_start3A_31 : memref<1x50x128xi32, #tpu.memory_space<hbm>> -> memref<50x128xi32, #tpu.memory_space<hbm>>
      tpu.enqueue_dma source(%dma_start3A_32 : memref<50x128xi32, #tpu.memory_space<hbm>>) target(%arg6 : memref<50x128xi32, #tpu.memory_space<vmem>>) target_semaphore(%run_scoped3A : memref<!tpu.dma_semaphore, #tpu.memory_space<semaphore_mem>>)
      %dma_wait3A_33 = arith.constant 0 : i32
      %dma_wait3A_34 = arith.constant 0 : i32
      %dma_wait3A_35 = tpu.memref_slice %arg2[%add3A, %dma_wait3A_33, %dma_wait3A_34] : memref<32x50x128xi32, #tpu.memory_space<hbm>> -> memref<1x50x128xi32, #tpu.memory_space<hbm>>
      %dma_wait3A_36 = tpu.memref_squeeze %dma_wait3A_35 : memref<1x50x128xi32, #tpu.memory_space<hbm>> -> memref<50x128xi32, #tpu.memory_space<hbm>>
      %dma_wait3A_37 = arith.constant 0 : i32
      %dma_wait3A_38 = arith.constant 0 : i32
      %dma_wait3A_39 = tpu.memref_slice %arg2[%add3A, %dma_wait3A_37, %dma_wait3A_38] : memref<32x50x128xi32, #tpu.memory_space<hbm>> -> memref<1x50x128xi32, #tpu.memory_space<hbm>>
      %dma_wait3A_40 = tpu.memref_squeeze %dma_wait3A_39 : memref<1x50x128xi32, #tpu.memory_space<hbm>> -> memref<50x128xi32, #tpu.memory_space<hbm>>
      tpu.wait_dma2 semaphore(%run_scoped3A : memref<!tpu.dma_semaphore, #tpu.memory_space<semaphore_mem>>) src(%dma_wait3A_40 : memref<50x128xi32, #tpu.memory_space<hbm>>) dst(%arg6 : memref<50x128xi32, #tpu.memory_space<vmem>>)
      tpu.yield
    }) : () -> ()
    %dma_start3A = arith.constant 0 : i32
    %dma_start3A_3 = arith.constant 0 : i32
    %dma_start3A_4 = tpu.memref_slice %arg6[%dma_start3A, %dma_start3A_3] : memref<50x128xi32, #tpu.memory_space<vmem>> -> memref<1x128xi32, #tpu.memory_space<vmem>>
    %dma_start3A_5 = tpu.memref_squeeze %dma_start3A_4 : memref<1x128xi32, #tpu.memory_space<vmem>> -> memref<128xi32, #tpu.memory_space<vmem>>
    %dma_start3A_6 = arith.constant 0 : i32
    %dma_start3A_7 = arith.constant 0 : i32
    %dma_start3A_8 = tpu.memref_slice %arg3[%dma_start3A_6, %dma_start3A_7] : memref<1000000x128xf32, #tpu.memory_space<hbm>> -> memref<1000000x128xf32, #tpu.memory_space<hbm>>
    tpu.enqueue_indirect_dma source(%dma_start3A_8 : memref<1000000x128xf32, #tpu.memory_space<hbm>>) target(%arg7 : memref<128x128xf32, #tpu.memory_space<vmem>>) offsets(%dma_start3A_5 : memref<128xi32, #tpu.memory_space<vmem>>) semaphore(%arg12 : memref<!tpu.dma_semaphore, #tpu.memory_space<semaphore_mem>>)
    %scan3A = arith.constant 0 : i32
    %scan3A_9 = arith.constant 0 : i32
    %scan3A_10 = arith.constant 25 : i32
    %scan3A_11 = arith.addi %scan3A_9, %scan3A_10 : i32
    %scan3A_12 = arith.constant 1 : i32
    scf.for %scan3A_25 = %scan3A_9 to %scan3A_11 step %scan3A_12  : i32 {
      %mul3A_26 = arith.constant 2 : i32
      %mul3A_27 = arith.muli %scan3A_25, %mul3A_26 : i32
      %add3A_28 = arith.constant 0 : i32
      %add3A_29 = arith.addi %mul3A_27, %add3A_28 : i32
      %add3A_30 = arith.constant 1 : i32
      %add3A_31 = arith.addi %add3A_29, %add3A_30 : i32
      %dma_start3A_32 = arith.constant 0 : i32
      %dma_start3A_33 = tpu.memref_slice %arg6[%add3A_31, %dma_start3A_32] : memref<50x128xi32, #tpu.memory_space<vmem>> -> memref<1x128xi32, #tpu.memory_space<vmem>>
      %dma_start3A_34 = tpu.memref_squeeze %dma_start3A_33 : memref<1x128xi32, #tpu.memory_space<vmem>> -> memref<128xi32, #tpu.memory_space<vmem>>
      %dma_start3A_35 = arith.constant 0 : i32
      %dma_start3A_36 = arith.constant 0 : i32
      %dma_start3A_37 = tpu.memref_slice %arg3[%dma_start3A_35, %dma_start3A_36] : memref<1000000x128xf32, #tpu.memory_space<hbm>> -> memref<1000000x128xf32, #tpu.memory_space<hbm>>
      tpu.enqueue_indirect_dma source(%dma_start3A_37 : memref<1000000x128xf32, #tpu.memory_space<hbm>>) target(%arg8 : memref<128x128xf32, #tpu.memory_space<vmem>>) offsets(%dma_start3A_34 : memref<128xi32, #tpu.memory_space<vmem>>) semaphore(%arg13 : memref<!tpu.dma_semaphore, #tpu.memory_space<semaphore_mem>>)
      %dma_wait3A_38 = arith.constant 0 : i32
      %dma_wait3A_39 = arith.constant 0 : i32
      %dma_wait3A_40 = tpu.memref_slice %arg3[%dma_wait3A_38, %dma_wait3A_39] : memref<1000000x128xf32, #tpu.memory_space<hbm>> -> memref<128x128xf32, #tpu.memory_space<hbm>>
      %dma_wait3A_41 = arith.constant 0 : i32
      %dma_wait3A_42 = arith.constant 0 : i32
      %dma_wait3A_43 = tpu.memref_slice %arg3[%dma_wait3A_41, %dma_wait3A_42] : memref<1000000x128xf32, #tpu.memory_space<hbm>> -> memref<128x128xf32, #tpu.memory_space<hbm>>
      tpu.wait_dma2 semaphore(%arg12 : memref<!tpu.dma_semaphore, #tpu.memory_space<semaphore_mem>>) src(%dma_wait3A_43 : memref<128x128xf32, #tpu.memory_space<hbm>>) dst(%arg7 : memref<128x128xf32, #tpu.memory_space<vmem>>)
      %add3A_44 = arith.addi %mul3A_2, %add3A_29 : i32
      %mul3A_45 = arith.constant 128 : i32
      %mul3A_46 = arith.muli %add3A_44, %mul3A_45 : i32
      %rem3A = arith.constant 200 : i32
      %rem3A_47 = arith.remsi %mul3A_46, %rem3A : i32
      %scan3A_48 = arith.constant 0 : i32
      %scan3A_49 = arith.constant 0 : i32
      %scan3A_50 = arith.constant 128 : i32
      %scan3A_51 = arith.addi %scan3A_49, %scan3A_50 : i32
      %scan3A_52 = arith.constant 4 : i32
      scf.for %scan3A_94 = %scan3A_49 to %scan3A_51 step %scan3A_52  : i32 {
        %add3A_95 = arith.addi %rem3A_47, %scan3A_94 : i32
        %ge3A = arith.constant 200 : i32
        %ge3A_96 = arith.cmpi sge, %add3A_95, %ge3A : i32
        %sub3A = arith.constant 200 : i32
        %sub3A_97 = arith.subi %add3A_95, %sub3A : i32
        %select_n3A = arith.select %ge3A_96, %sub3A_97, %add3A_95 : i32
        %get3A = arith.index_cast %scan3A_94 : i32 to index
        %get3A_98 = arith.constant 0 : index
        %get3A_99 = tpu.vector_load %arg7[%get3A, %get3A_98] {strides = array<i32>} : memref<128x128xf32, #tpu.memory_space<vmem>>, vector<1x16xf32>,
        %get3A_100 = vector.shape_cast %get3A_99 : vector<1x16xf32> to vector<16xf32>
        %get3A_101 = arith.index_cast %select_n3A : i32 to index
        %get3A_102 = arith.constant 0 : index
        %get3A_103 = tpu.vector_load %arg11[%get3A_101, %get3A_102] {strides = array<i32>} : memref<200x128xf32, #tpu.memory_space<vmem>>, vector<1x16xf32>,
        %get3A_104 = vector.shape_cast %get3A_103 : vector<1x16xf32> to vector<16xf32>
        %add3A_105 = arith.addf %get3A_100, %get3A_104 : vector<16xf32>
        %swap3A = arith.index_cast %scan3A_94 : i32 to index
        %swap3A_106 = arith.constant 0 : index
        %swap3A_107 = tpu.vector_load %arg9[%swap3A, %swap3A_106] {strides = array<i32>} : memref<128x64xf32, #tpu.memory_space<vmem>>, vector<1x16xf32>,
        %swap3A_108 = vector.shape_cast %swap3A_107 : vector<1x16xf32> to vector<16xf32>
        %swap3A_109 = vector.shape_cast %add3A_105 : vector<16xf32> to vector<1x16xf32>
        tpu.vector_store %arg9[%swap3A, %swap3A_106], %swap3A_109 {strides = array<i32>} : memref<128x64xf32, #tpu.memory_space<vmem>>, vector<1x16xf32>,
        %get3A_110 = arith.index_cast %scan3A_94 : i32 to index
        %get3A_111 = arith.constant 16 : index
        %get3A_112 = tpu.vector_load %arg7[%get3A_110, %get3A_111] {strides = array<i32>} : memref<128x128xf32, #tpu.memory_space<vmem>>, vector<1x16xf32>,
        %get3A_113 = vector.shape_cast %get3A_112 : vector<1x16xf32> to vector<16xf32>
        %get3A_114 = arith.index_cast %select_n3A : i32 to index
        %get3A_115 = arith.constant 16 : index
        %get3A_116 = tpu.vector_load %arg11[%get3A_114, %get3A_115] {strides = array<i32>} : memref<200x128xf32, #tpu.memory_space<vmem>>, vector<1x16xf32>,
        %get3A_117 = vector.shape_cast %get3A_116 : vector<1x16xf32> to vector<16xf32>
        %add3A_118 = arith.addf %get3A_113, %get3A_117 : vector<16xf32>
        %swap3A_119 = arith.index_cast %scan3A_94 : i32 to index
        %swap3A_120 = arith.constant 16 : index
        %swap3A_121 = tpu.vector_load %arg9[%swap3A_119, %swap3A_120] {strides = array<i32>} : memref<128x64xf32, #tpu.memory_space<vmem>>, vector<1x16xf32>,
        %swap3A_122 = vector.shape_cast %swap3A_121 : vector<1x16xf32> to vector<16xf32>
        %swap3A_123 = vector.shape_cast %add3A_118 : vector<16xf32> to vector<1x16xf32>
        tpu.vector_store %arg9[%swap3A_119, %swap3A_120], %swap3A_123 {strides = array<i32>} : memref<128x64xf32, #tpu.memory_space<vmem>>, vector<1x16xf32>,
        %get3A_124 = arith.index_cast %scan3A_94 : i32 to index
        %get3A_125 = arith.constant 32 : index
        %get3A_126 = tpu.vector_load %arg7[%get3A_124, %get3A_125] {strides = array<i32>} : memref<128x128xf32, #tpu.memory_space<vmem>>, vector<1x16xf32>,
        %get3A_127 = vector.shape_cast %get3A_126 : vector<1x16xf32> to vector<16xf32>
        %get3A_128 = arith.index_cast %select_n3A : i32 to index
        %get3A_129 = arith.constant 32 : index
        %get3A_130 = tpu.vector_load %arg11[%get3A_128, %get3A_129] {strides = array<i32>} : memref<200x128xf32, #tpu.memory_space<vmem>>, vector<1x16xf32>,
        %get3A_131 = vector.shape_cast %get3A_130 : vector<1x16xf32> to vector<16xf32>
        %add3A_132 = arith.addf %get3A_127, %get3A_131 : vector<16xf32>
        %swap3A_133 = arith.index_cast %scan3A_94 : i32 to index
        %swap3A_134 = arith.constant 32 : index
        %swap3A_135 = tpu.vector_load %arg9[%swap3A_133, %swap3A_134] {strides = array<i32>} : memref<128x64xf32, #tpu.memory_space<vmem>>, vector<1x16xf32>,
        %swap3A_136 = vector.shape_cast %swap3A_135 : vector<1x16xf32> to vector<16xf32>
        %swap3A_137 = vector.shape_cast %add3A_132 : vector<16xf32> to vector<1x16xf32>
        tpu.vector_store %arg9[%swap3A_133, %swap3A_134], %swap3A_137 {strides = array<i32>} : memref<128x64xf32, #tpu.memory_space<vmem>>, vector<1x16xf32>,
        %get3A_138 = arith.index_cast %scan3A_94 : i32 to index
        %get3A_139 = arith.constant 48 : index
        %get3A_140 = tpu.vector_load %arg7[%get3A_138, %get3A_139] {strides = array<i32>} : memref<128x128xf32, #tpu.memory_space<vmem>>, vector<1x16xf32>,
        %get3A_141 = vector.shape_cast %get3A_140 : vector<1x16xf32> to vector<16xf32>
        %get3A_142 = arith.index_cast %select_n3A : i32 to index
        %get3A_143 = arith.constant 48 : index
        %get3A_144 = tpu.vector_load %arg11[%get3A_142, %get3A_143] {strides = array<i32>} : memref<200x128xf32, #tpu.memory_space<vmem>>, vector<1x16xf32>,
        %get3A_145 = vector.shape_cast %get3A_144 : vector<1x16xf32> to vector<16xf32>
        %add3A_146 = arith.addf %get3A_141, %get3A_145 : vector<16xf32>
        %swap3A_147 = arith.index_cast %scan3A_94 : i32 to index
        %swap3A_148 = arith.constant 48 : index
        %swap3A_149 = tpu.vector_load %arg9[%swap3A_147, %swap3A_148] {strides = array<i32>} : memref<128x64xf32, #tpu.memory_space<vmem>>, vector<1x16xf32>,
        %swap3A_150 = vector.shape_cast %swap3A_149 : vector<1x16xf32> to vector<16xf32>
        %swap3A_151 = vector.shape_cast %add3A_146 : vector<16xf32> to vector<1x16xf32>
        tpu.vector_store %arg9[%swap3A_147, %swap3A_148], %swap3A_151 {strides = array<i32>} : memref<128x64xf32, #tpu.memory_space<vmem>>, vector<1x16xf32>,
        %scan3A_152 = arith.constant 1 : i32
        %scan3A_153 = arith.addi %scan3A_94, %scan3A_152 : i32
        %add3A_154 = arith.addi %rem3A_47, %scan3A_153 : i32
        %ge3A_155 = arith.constant 200 : i32
        %ge3A_156 = arith.cmpi sge, %add3A_154, %ge3A_155 : i32
        %sub3A_157 = arith.constant 200 : i32
        %sub3A_158 = arith.subi %add3A_154, %sub3A_157 : i32
        %select_n3A_159 = arith.select %ge3A_156, %sub3A_158, %add3A_154 : i32
        %get3A_160 = arith.index_cast %scan3A_153 : i32 to index
        %get3A_161 = arith.constant 0 : index
        %get3A_162 = tpu.vector_load %arg7[%get3A_160, %get3A_161] {strides = array<i32>} : memref<128x128xf32, #tpu.memory_space<vmem>>, vector<1x16xf32>,
        %get3A_163 = vector.shape_cast %get3A_162 : vector<1x16xf32> to vector<16xf32>
        %get3A_164 = arith.index_cast %select_n3A_159 : i32 to index
        %get3A_165 = arith.constant 0 : index
        %get3A_166 = tpu.vector_load %arg11[%get3A_164, %get3A_165] {strides = array<i32>} : memref<200x128xf32, #tpu.memory_space<vmem>>, vector<1x16xf32>,
        %get3A_167 = vector.shape_cast %get3A_166 : vector<1x16xf32> to vector<16xf32>
        %add3A_168 = arith.addf %get3A_163, %get3A_167 : vector<16xf32>
        %swap3A_169 = arith.index_cast %scan3A_153 : i32 to index
        %swap3A_170 = arith.constant 0 : index
        %swap3A_171 = tpu.vector_load %arg9[%swap3A_169, %swap3A_170] {strides = array<i32>} : memref<128x64xf32, #tpu.memory_space<vmem>>, vector<1x16xf32>,
        %swap3A_172 = vector.shape_cast %swap3A_171 : vector<1x16xf32> to vector<16xf32>
        %swap3A_173 = vector.shape_cast %add3A_168 : vector<16xf32> to vector<1x16xf32>
        tpu.vector_store %arg9[%swap3A_169, %swap3A_170], %swap3A_173 {strides = array<i32>} : memref<128x64xf32, #tpu.memory_space<vmem>>, vector<1x16xf32>,
        %get3A_174 = arith.index_cast %scan3A_153 : i32 to index
        %get3A_175 = arith.constant 16 : index
        %get3A_176 = tpu.vector_load %arg7[%get3A_174, %get3A_175] {strides = array<i32>} : memref<128x128xf32, #tpu.memory_space<vmem>>, vector<1x16xf32>,
        %get3A_177 = vector.shape_cast %get3A_176 : vector<1x16xf32> to vector<16xf32>
        %get3A_178 = arith.index_cast %select_n3A_159 : i32 to index
        %get3A_179 = arith.constant 16 : index
        %get3A_180 = tpu.vector_load %arg11[%get3A_178, %get3A_179] {strides = array<i32>} : memref<200x128xf32, #tpu.memory_space<vmem>>, vector<1x16xf32>,
        %get3A_181 = vector.shape_cast %get3A_180 : vector<1x16xf32> to vector<16xf32>
        %add3A_182 = arith.addf %get3A_177, %get3A_181 : vector<16xf32>
        %swap3A_183 = arith.index_cast %scan3A_153 : i32 to index
        %swap3A_184 = arith.constant 16 : index
        %swap3A_185 = tpu.vector_load %arg9[%swap3A_183, %swap3A_184] {strides = array<i32>} : memref<128x64xf32, #tpu.memory_space<vmem>>, vector<1x16xf32>,
        %swap3A_186 = vector.shape_cast %swap3A_185 : vector<1x16xf32> to vector<16xf32>
        %swap3A_187 = vector.shape_cast %add3A_182 : vector<16xf32> to vector<1x16xf32>
        tpu.vector_store %arg9[%swap3A_183, %swap3A_184], %swap3A_187 {strides = array<i32>} : memref<128x64xf32, #tpu.memory_space<vmem>>, vector<1x16xf32>,
        %get3A_188 = arith.index_cast %scan3A_153 : i32 to index
        %get3A_189 = arith.constant 32 : index
        %get3A_190 = tpu.vector_load %arg7[%get3A_188, %get3A_189] {strides = array<i32>} : memref<128x128xf32, #tpu.memory_space<vmem>>, vector<1x16xf32>,
        %get3A_191 = vector.shape_cast %get3A_190 : vector<1x16xf32> to vector<16xf32>
        %get3A_192 = arith.index_cast %select_n3A_159 : i32 to index
        %get3A_193 = arith.constant 32 : index
        %get3A_194 = tpu.vector_load %arg11[%get3A_192, %get3A_193] {strides = array<i32>} : memref<200x128xf32, #tpu.memory_space<vmem>>, vector<1x16xf32>,
        %get3A_195 = vector.shape_cast %get3A_194 : vector<1x16xf32> to vector<16xf32>
        %add3A_196 = arith.addf %get3A_191, %get3A_195 : vector<16xf32>
        %swap3A_197 = arith.index_cast %scan3A_153 : i32 to index
        %swap3A_198 = arith.constant 32 : index
        %swap3A_199 = tpu.vector_load %arg9[%swap3A_197, %swap3A_198] {strides = array<i32>} : memref<128x64xf32, #tpu.memory_space<vmem>>, vector<1x16xf32>,
        %swap3A_200 = vector.shape_cast %swap3A_199 : vector<1x16xf32> to vector<16xf32>
        %swap3A_201 = vector.shape_cast %add3A_196 : vector<16xf32> to vector<1x16xf32>
        tpu.vector_store %arg9[%swap3A_197, %swap3A_198], %swap3A_201 {strides = array<i32>} : memref<128x64xf32, #tpu.memory_space<vmem>>, vector<1x16xf32>,
        %get3A_202 = arith.index_cast %scan3A_153 : i32 to index
        %get3A_203 = arith.constant 48 : index
        %get3A_204 = tpu.vector_load %arg7[%get3A_202, %get3A_203] {strides = array<i32>} : memref<128x128xf32, #tpu.memory_space<vmem>>, vector<1x16xf32>,
        %get3A_205 = vector.shape_cast %get3A_204 : vector<1x16xf32> to vector<16xf32>
        %get3A_206 = arith.index_cast %select_n3A_159 : i32 to index
        %get3A_207 = arith.constant 48 : index
        %get3A_208 = tpu.vector_load %arg11[%get3A_206, %get3A_207] {strides = array<i32>} : memref<200x128xf32, #tpu.memory_space<vmem>>, vector<1x16xf32>,
        %get3A_209 = vector.shape_cast %get3A_208 : vector<1x16xf32> to vector<16xf32>
        %add3A_210 = arith.addf %get3A_205, %get3A_209 : vector<16xf32>
        %swap3A_211 = arith.index_cast %scan3A_153 : i32 to index
        %swap3A_212 = arith.constant 48 : index
        %swap3A_213 = tpu.vector_load %arg9[%swap3A_211, %swap3A_212] {strides = array<i32>} : memref<128x64xf32, #tpu.memory_space<vmem>>, vector<1x16xf32>,
        %swap3A_214 = vector.shape_cast %swap3A_213 : vector<1x16xf32> to vector<16xf32>
        %swap3A_215 = vector.shape_cast %add3A_210 : vector<16xf32> to vector<1x16xf32>
        tpu.vector_store %arg9[%swap3A_211, %swap3A_212], %swap3A_215 {strides = array<i32>} : memref<128x64xf32, #tpu.memory_space<vmem>>, vector<1x16xf32>,
        %scan3A_216 = arith.constant 2 : i32
        %scan3A_217 = arith.addi %scan3A_94, %scan3A_216 : i32
        %add3A_218 = arith.addi %rem3A_47, %scan3A_217 : i32
        %ge3A_219 = arith.constant 200 : i32
        %ge3A_220 = arith.cmpi sge, %add3A_218, %ge3A_219 : i32
        %sub3A_221 = arith.constant 200 : i32
        %sub3A_222 = arith.subi %add3A_218, %sub3A_221 : i32
        %select_n3A_223 = arith.select %ge3A_220, %sub3A_222, %add3A_218 : i32
        %get3A_224 = arith.index_cast %scan3A_217 : i32 to index
        %get3A_225 = arith.constant 0 : index
        %get3A_226 = tpu.vector_load %arg7[%get3A_224, %get3A_225] {strides = array<i32>} : memref<128x128xf32, #tpu.memory_space<vmem>>, vector<1x16xf32>,
        %get3A_227 = vector.shape_cast %get3A_226 : vector<1x16xf32> to vector<16xf32>
        %get3A_228 = arith.index_cast %select_n3A_223 : i32 to index
        %get3A_229 = arith.constant 0 : index
        %get3A_230 = tpu.vector_load %arg11[%get3A_228, %get3A_229] {strides = array<i32>} : memref<200x128xf32, #tpu.memory_space<vmem>>, vector<1x16xf32>,
        %get3A_231 = vector.shape_cast %get3A_230 : vector<1x16xf32> to vector<16xf32>
        %add3A_232 = arith.addf %get3A_227, %get3A_231 : vector<16xf32>
        %swap3A_233 = arith.index_cast %scan3A_217 : i32 to index
        %swap3A_234 = arith.constant 0 : index
        %swap3A_235 = tpu.vector_load %arg9[%swap3A_233, %swap3A_234] {strides = array<i32>} : memref<128x64xf32, #tpu.memory_space<vmem>>, vector<1x16xf32>,
        %swap3A_236 = vector.shape_cast %swap3A_235 : vector<1x16xf32> to vector<16xf32>
        %swap3A_237 = vector.shape_cast %add3A_232 : vector<16xf32> to vector<1x16xf32>
        tpu.vector_store %arg9[%swap3A_233, %swap3A_234], %swap3A_237 {strides = array<i32>} : memref<128x64xf32, #tpu.memory_space<vmem>>, vector<1x16xf32>,
        %get3A_238 = arith.index_cast %scan3A_217 : i32 to index
        %get3A_239 = arith.constant 16 : index
        %get3A_240 = tpu.vector_load %arg7[%get3A_238, %get3A_239] {strides = array<i32>} : memref<128x128xf32, #tpu.memory_space<vmem>>, vector<1x16xf32>,
        %get3A_241 = vector.shape_cast %get3A_240 : vector<1x16xf32> to vector<16xf32>
        %get3A_242 = arith.index_cast %select_n3A_223 : i32 to index
        %get3A_243 = arith.constant 16 : index
        %get3A_244 = tpu.vector_load %arg11[%get3A_242, %get3A_243] {strides = array<i32>} : memref<200x128xf32, #tpu.memory_space<vmem>>, vector<1x16xf32>,
        %get3A_245 = vector.shape_cast %get3A_244 : vector<1x16xf32> to vector<16xf32>
        %add3A_246 = arith.addf %get3A_241, %get3A_245 : vector<16xf32>
        %swap3A_247 = arith.index_cast %scan3A_217 : i32 to index
        %swap3A_248 = arith.constant 16 : index
        %swap3A_249 = tpu.vector_load %arg9[%swap3A_247, %swap3A_248] {strides = array<i32>} : memref<128x64xf32, #tpu.memory_space<vmem>>, vector<1x16xf32>,
        %swap3A_250 = vector.shape_cast %swap3A_249 : vector<1x16xf32> to vector<16xf32>
        %swap3A_251 = vector.shape_cast %add3A_246 : vector<16xf32> to vector<1x16xf32>
        tpu.vector_store %arg9[%swap3A_247, %swap3A_248], %swap3A_251 {strides = array<i32>} : memref<128x64xf32, #tpu.memory_space<vmem>>, vector<1x16xf32>,
        %get3A_252 = arith.index_cast %scan3A_217 : i32 to index
        %get3A_253 = arith.constant 32 : index
        %get3A_254 = tpu.vector_load %arg7[%get3A_252, %get3A_253] {strides = array<i32>} : memref<128x128xf32, #tpu.memory_space<vmem>>, vector<1x16xf32>,
        %get3A_255 = vector.shape_cast %get3A_254 : vector<1x16xf32> to vector<16xf32>
        %get3A_256 = arith.index_cast %select_n3A_223 : i32 to index
        %get3A_257 = arith.constant 32 : index
        %get3A_258 = tpu.vector_load %arg11[%get3A_256, %get3A_257] {strides = array<i32>} : memref<200x128xf32, #tpu.memory_space<vmem>>, vector<1x16xf32>,
        %get3A_259 = vector.shape_cast %get3A_258 : vector<1x16xf32> to vector<16xf32>
        %add3A_260 = arith.addf %get3A_255, %get3A_259 : vector<16xf32>
        %swap3A_261 = arith.index_cast %scan3A_217 : i32 to index
        %swap3A_262 = arith.constant 32 : index
        %swap3A_263 = tpu.vector_load %arg9[%swap3A_261, %swap3A_262] {strides = array<i32>} : memref<128x64xf32, #tpu.memory_space<vmem>>, vector<1x16xf32>,
        %swap3A_264 = vector.shape_cast %swap3A_263 : vector<1x16xf32> to vector<16xf32>
        %swap3A_265 = vector.shape_cast %add3A_260 : vector<16xf32> to vector<1x16xf32>
        tpu.vector_store %arg9[%swap3A_261, %swap3A_262], %swap3A_265 {strides = array<i32>} : memref<128x64xf32, #tpu.memory_space<vmem>>, vector<1x16xf32>,
        %get3A_266 = arith.index_cast %scan3A_217 : i32 to index
        %get3A_267 = arith.constant 48 : index
        %get3A_268 = tpu.vector_load %arg7[%get3A_266, %get3A_267] {strides = array<i32>} : memref<128x128xf32, #tpu.memory_space<vmem>>, vector<1x16xf32>,
        %get3A_269 = vector.shape_cast %get3A_268 : vector<1x16xf32> to vector<16xf32>
        %get3A_270 = arith.index_cast %select_n3A_223 : i32 to index
        %get3A_271 = arith.constant 48 : index
        %get3A_272 = tpu.vector_load %arg11[%get3A_270, %get3A_271] {strides = array<i32>} : memref<200x128xf32, #tpu.memory_space<vmem>>, vector<1x16xf32>,
        %get3A_273 = vector.shape_cast %get3A_272 : vector<1x16xf32> to vector<16xf32>
        %add3A_274 = arith.addf %get3A_269, %get3A_273 : vector<16xf32>
        %swap3A_275 = arith.index_cast %scan3A_217 : i32 to index
        %swap3A_276 = arith.constant 48 : index
        %swap3A_277 = tpu.vector_load %arg9[%swap3A_275, %swap3A_276] {strides = array<i32>} : memref<128x64xf32, #tpu.memory_space<vmem>>, vector<1x16xf32>,
        %swap3A_278 = vector.shape_cast %swap3A_277 : vector<1x16xf32> to vector<16xf32>
        %swap3A_279 = vector.shape_cast %add3A_274 : vector<16xf32> to vector<1x16xf32>
        tpu.vector_store %arg9[%swap3A_275, %swap3A_276], %swap3A_279 {strides = array<i32>} : memref<128x64xf32, #tpu.memory_space<vmem>>, vector<1x16xf32>,
        %scan3A_280 = arith.constant 3 : i32
        %scan3A_281 = arith.addi %scan3A_94, %scan3A_280 : i32
        %add3A_282 = arith.addi %rem3A_47, %scan3A_281 : i32
        %ge3A_283 = arith.constant 200 : i32
        %ge3A_284 = arith.cmpi sge, %add3A_282, %ge3A_283 : i32
        %sub3A_285 = arith.constant 200 : i32
        %sub3A_286 = arith.subi %add3A_282, %sub3A_285 : i32
        %select_n3A_287 = arith.select %ge3A_284, %sub3A_286, %add3A_282 : i32
        %get3A_288 = arith.index_cast %scan3A_281 : i32 to index
        %get3A_289 = arith.constant 0 : index
        %get3A_290 = tpu.vector_load %arg7[%get3A_288, %get3A_289] {strides = array<i32>} : memref<128x128xf32, #tpu.memory_space<vmem>>, vector<1x16xf32>,
        %get3A_291 = vector.shape_cast %get3A_290 : vector<1x16xf32> to vector<16xf32>
        %get3A_292 = arith.index_cast %select_n3A_287 : i32 to index
        %get3A_293 = arith.constant 0 : index
        %get3A_294 = tpu.vector_load %arg11[%get3A_292, %get3A_293] {strides = array<i32>} : memref<200x128xf32, #tpu.memory_space<vmem>>, vector<1x16xf32>,
        %get3A_295 = vector.shape_cast %get3A_294 : vector<1x16xf32> to vector<16xf32>
        %add3A_296 = arith.addf %get3A_291, %get3A_295 : vector<16xf32>
        %swap3A_297 = arith.index_cast %scan3A_281 : i32 to index
        %swap3A_298 = arith.constant 0 : index
        %swap3A_299 = tpu.vector_load %arg9[%swap3A_297, %swap3A_298] {strides = array<i32>} : memref<128x64xf32, #tpu.memory_space<vmem>>, vector<1x16xf32>,
        %swap3A_300 = vector.shape_cast %swap3A_299 : vector<1x16xf32> to vector<16xf32>
        %swap3A_301 = vector.shape_cast %add3A_296 : vector<16xf32> to vector<1x16xf32>
        tpu.vector_store %arg9[%swap3A_297, %swap3A_298], %swap3A_301 {strides = array<i32>} : memref<128x64xf32, #tpu.memory_space<vmem>>, vector<1x16xf32>,
        %get3A_302 = arith.index_cast %scan3A_281 : i32 to index
        %get3A_303 = arith.constant 16 : index
        %get3A_304 = tpu.vector_load %arg7[%get3A_302, %get3A_303] {strides = array<i32>} : memref<128x128xf32, #tpu.memory_space<vmem>>, vector<1x16xf32>,
        %get3A_305 = vector.shape_cast %get3A_304 : vector<1x16xf32> to vector<16xf32>
        %get3A_306 = arith.index_cast %select_n3A_287 : i32 to index
        %get3A_307 = arith.constant 16 : index
        %get3A_308 = tpu.vector_load %arg11[%get3A_306, %get3A_307] {strides = array<i32>} : memref<200x128xf32, #tpu.memory_space<vmem>>, vector<1x16xf32>,
        %get3A_309 = vector.shape_cast %get3A_308 : vector<1x16xf32> to vector<16xf32>
        %add3A_310 = arith.addf %get3A_305, %get3A_309 : vector<16xf32>
        %swap3A_311 = arith.index_cast %scan3A_281 : i32 to index
        %swap3A_312 = arith.constant 16 : index
        %swap3A_313 = tpu.vector_load %arg9[%swap3A_311, %swap3A_312] {strides = array<i32>} : memref<128x64xf32, #tpu.memory_space<vmem>>, vector<1x16xf32>,
        %swap3A_314 = vector.shape_cast %swap3A_313 : vector<1x16xf32> to vector<16xf32>
        %swap3A_315 = vector.shape_cast %add3A_310 : vector<16xf32> to vector<1x16xf32>
        tpu.vector_store %arg9[%swap3A_311, %swap3A_312], %swap3A_315 {strides = array<i32>} : memref<128x64xf32, #tpu.memory_space<vmem>>, vector<1x16xf32>,
        %get3A_316 = arith.index_cast %scan3A_281 : i32 to index
        %get3A_317 = arith.constant 32 : index
        %get3A_318 = tpu.vector_load %arg7[%get3A_316, %get3A_317] {strides = array<i32>} : memref<128x128xf32, #tpu.memory_space<vmem>>, vector<1x16xf32>,
        %get3A_319 = vector.shape_cast %get3A_318 : vector<1x16xf32> to vector<16xf32>
        %get3A_320 = arith.index_cast %select_n3A_287 : i32 to index
        %get3A_321 = arith.constant 32 : index
        %get3A_322 = tpu.vector_load %arg11[%get3A_320, %get3A_321] {strides = array<i32>} : memref<200x128xf32, #tpu.memory_space<vmem>>, vector<1x16xf32>,
        %get3A_323 = vector.shape_cast %get3A_322 : vector<1x16xf32> to vector<16xf32>
        %add3A_324 = arith.addf %get3A_319, %get3A_323 : vector<16xf32>
        %swap3A_325 = arith.index_cast %scan3A_281 : i32 to index
        %swap3A_326 = arith.constant 32 : index
        %swap3A_327 = tpu.vector_load %arg9[%swap3A_325, %swap3A_326] {strides = array<i32>} : memref<128x64xf32, #tpu.memory_space<vmem>>, vector<1x16xf32>,
        %swap3A_328 = vector.shape_cast %swap3A_327 : vector<1x16xf32> to vector<16xf32>
        %swap3A_329 = vector.shape_cast %add3A_324 : vector<16xf32> to vector<1x16xf32>
        tpu.vector_store %arg9[%swap3A_325, %swap3A_326], %swap3A_329 {strides = array<i32>} : memref<128x64xf32, #tpu.memory_space<vmem>>, vector<1x16xf32>,
        %get3A_330 = arith.index_cast %scan3A_281 : i32 to index
        %get3A_331 = arith.constant 48 : index
        %get3A_332 = tpu.vector_load %arg7[%get3A_330, %get3A_331] {strides = array<i32>} : memref<128x128xf32, #tpu.memory_space<vmem>>, vector<1x16xf32>,
        %get3A_333 = vector.shape_cast %get3A_332 : vector<1x16xf32> to vector<16xf32>
        %get3A_334 = arith.index_cast %select_n3A_287 : i32 to index
        %get3A_335 = arith.constant 48 : index
        %get3A_336 = tpu.vector_load %arg11[%get3A_334, %get3A_335] {strides = array<i32>} : memref<200x128xf32, #tpu.memory_space<vmem>>, vector<1x16xf32>,
        %get3A_337 = vector.shape_cast %get3A_336 : vector<1x16xf32> to vector<16xf32>
        %add3A_338 = arith.addf %get3A_333, %get3A_337 : vector<16xf32>
        %swap3A_339 = arith.index_cast %scan3A_281 : i32 to index
        %swap3A_340 = arith.constant 48 : index
        %swap3A_341 = tpu.vector_load %arg9[%swap3A_339, %swap3A_340] {strides = array<i32>} : memref<128x64xf32, #tpu.memory_space<vmem>>, vector<1x16xf32>,
        %swap3A_342 = vector.shape_cast %swap3A_341 : vector<1x16xf32> to vector<16xf32>
        %swap3A_343 = vector.shape_cast %add3A_338 : vector<16xf32> to vector<1x16xf32>
        tpu.vector_store %arg9[%swap3A_339, %swap3A_340], %swap3A_343 {strides = array<i32>} : memref<128x64xf32, #tpu.memory_space<vmem>>, vector<1x16xf32>,
      }
      %scan3A_53 = arith.constant 128 : i32
      %gt3A = arith.constant 0 : i32
      %gt3A_54 = arith.cmpi sgt, %scan3A_25, %gt3A : i32
      %convert_element_type3A = arith.extui %gt3A_54 : i1 to i32
      %cond3A = arith.constant 0 : i32
      %cond3A_55 = arith.cmpi ne, %convert_element_type3A, %cond3A : i32
      scf.if %cond3A_55 {
        %dma_wait3A_94 = arith.constant 0 : i32
        %dma_wait3A_95 = arith.constant 0 : i32
        %dma_wait3A_96 = tpu.memref_slice %arg5[%dma_wait3A_94, %dma_wait3A_95] : memref<204800x64xf32, #tpu.memory_space<hbm>> -> memref<128x64xf32, #tpu.memory_space<hbm>>
        %dma_wait3A_97 = arith.constant 0 : i32
        %dma_wait3A_98 = arith.constant 0 : i32
        %dma_wait3A_99 = tpu.memref_slice %arg5[%dma_wait3A_97, %dma_wait3A_98] : memref<204800x64xf32, #tpu.memory_space<hbm>> -> memref<128x64xf32, #tpu.memory_space<hbm>>
        tpu.wait_dma2 semaphore(%arg14 : memref<!tpu.dma_semaphore, #tpu.memory_space<semaphore_mem>>) src(%arg9 : memref<128x64xf32, #tpu.memory_space<vmem>>) dst(%dma_wait3A_99 : memref<128x64xf32, #tpu.memory_space<hbm>>)
      } else {
      }
      %dma_start3A_56 = arith.constant 0 : i32
      %dma_start3A_57 = tpu.memref_slice %arg5[%mul3A_46, %dma_start3A_56] : memref<204800x64xf32, #tpu.memory_space<hbm>> -> memref<128x64xf32, #tpu.memory_space<hbm>>
      %dma_start3A_58 = arith.constant 0 : i32
      %dma_start3A_59 = tpu.memref_slice %arg5[%mul3A_46, %dma_start3A_58] : memref<204800x64xf32, #tpu.memory_space<hbm>> -> memref<128x64xf32, #tpu.memory_space<hbm>>
      tpu.enqueue_dma source(%arg9 : memref<128x64xf32, #tpu.memory_space<vmem>>) target(%dma_start3A_59 : memref<128x64xf32, #tpu.memory_space<hbm>>) target_semaphore(%arg14 : memref<!tpu.dma_semaphore, #tpu.memory_space<semaphore_mem>>)
      %mul3A_60 = arith.constant 2 : i32
      %mul3A_61 = arith.muli %scan3A_25, %mul3A_60 : i32
      %add3A_62 = arith.constant 1 : i32
      %add3A_63 = arith.addi %mul3A_61, %add3A_62 : i32
      %lt3A = arith.constant 24 : i32
      %lt3A_64 = arith.cmpi slt, %scan3A_25, %lt3A : i32
      %convert_element_type3A_65 = arith.extui %lt3A_64 : i1 to i32
      %cond3A_66 = arith.constant 0 : i32
      %cond3A_67 = arith.cmpi ne, %convert_element_type3A_65, %cond3A_66 : i32
      scf.if %cond3A_67 {
        %add3A_94 = arith.constant 1 : i32
        %add3A_95 = arith.addi %add3A_63, %add3A_94 : i32
        %dma_start3A_96 = arith.constant 0 : i32
        %dma_start3A_97 = tpu.memref_slice %arg6[%add3A_95, %dma_start3A_96] : memref<50x128xi32, #tpu.memory_space<vmem>> -> memref<1x128xi32, #tpu.memory_space<vmem>>
        %dma_start3A_98 = tpu.memref_squeeze %dma_start3A_97 : memref<1x128xi32, #tpu.memory_space<vmem>> -> memref<128xi32, #tpu.memory_space<vmem>>
        %dma_start3A_99 = arith.constant 0 : i32
        %dma_start3A_100 = arith.constant 0 : i32
        %dma_start3A_101 = tpu.memref_slice %arg3[%dma_start3A_99, %dma_start3A_100] : memref<1000000x128xf32, #tpu.memory_space<hbm>> -> memref<1000000x128xf32, #tpu.memory_space<hbm>>
        tpu.enqueue_indirect_dma source(%dma_start3A_101 : memref<1000000x128xf32, #tpu.memory_space<hbm>>) target(%arg7 : memref<128x128xf32, #tpu.memory_space<vmem>>) offsets(%dma_start3A_98 : memref<128xi32, #tpu.memory_space<vmem>>) semaphore(%arg12 : memref<!tpu.dma_semaphore, #tpu.memory_space<semaphore_mem>>)
      } else {
      }
      %dma_wait3A_68 = arith.constant 0 : i32
      %dma_wait3A_69 = arith.constant 0 : i32
      %dma_wait3A_70 = tpu.memref_slice %arg3[%dma_wait3A_68, %dma_wait3A_69] : memref<1000000x128xf32, #tpu.memory_space<hbm>> -> memref<128x128xf32, #tpu.memory_space<hbm>>
      %dma_wait3A_71 = arith.constant 0 : i32
      %dma_wait3A_72 = arith.constant 0 : i32
      %dma_wait3A_73 = tpu.memref_slice %arg3[%dma_wait3A_71, %dma_wait3A_72] : memref<1000000x128xf32, #tpu.memory_space<hbm>> -> memref<128x128xf32, #tpu.memory_space<hbm>>
      tpu.wait_dma2 semaphore(%arg13 : memref<!tpu.dma_semaphore, #tpu.memory_space<semaphore_mem>>) src(%dma_wait3A_73 : memref<128x128xf32, #tpu.memory_space<hbm>>) dst(%arg8 : memref<128x128xf32, #tpu.memory_space<vmem>>)
      %add3A_74 = arith.addi %mul3A_2, %add3A_63 : i32
      %mul3A_75 = arith.constant 128 : i32
      %mul3A_76 = arith.muli %add3A_74, %mul3A_75 : i32
      %rem3A_77 = arith.constant 200 : i32
      %rem3A_78 = arith.remsi %mul3A_76, %rem3A_77 : i32
      %scan3A_79 = arith.constant 0 : i32
      %scan3A_80 = arith.constant 0 : i32
      %scan3A_81 = arith.constant 128 : i32
      %scan3A_82 = arith.addi %scan3A_80, %scan3A_81 : i32
      %scan3A_83 = arith.constant 4 : i32
      scf.for %scan3A_94 = %scan3A_80 to %scan3A_82 step %scan3A_83  : i32 {
        %add3A_95 = arith.addi %rem3A_78, %scan3A_94 : i32
        %ge3A = arith.constant 200 : i32
        %ge3A_96 = arith.cmpi sge, %add3A_95, %ge3A : i32
        %sub3A = arith.constant 200 : i32
        %sub3A_97 = arith.subi %add3A_95, %sub3A : i32
        %select_n3A = arith.select %ge3A_96, %sub3A_97, %add3A_95 : i32
        %get3A = arith.index_cast %scan3A_94 : i32 to index
        %get3A_98 = arith.constant 0 : index
        %get3A_99 = tpu.vector_load %arg8[%get3A, %get3A_98] {strides = array<i32>} : memref<128x128xf32, #tpu.memory_space<vmem>>, vector<1x16xf32>,
        %get3A_100 = vector.shape_cast %get3A_99 : vector<1x16xf32> to vector<16xf32>
        %get3A_101 = arith.index_cast %select_n3A : i32 to index
        %get3A_102 = arith.constant 0 : index
        %get3A_103 = tpu.vector_load %arg11[%get3A_101, %get3A_102] {strides = array<i32>} : memref<200x128xf32, #tpu.memory_space<vmem>>, vector<1x16xf32>,
        %get3A_104 = vector.shape_cast %get3A_103 : vector<1x16xf32> to vector<16xf32>
        %add3A_105 = arith.addf %get3A_100, %get3A_104 : vector<16xf32>
        %swap3A = arith.index_cast %scan3A_94 : i32 to index
        %swap3A_106 = arith.constant 0 : index
        %swap3A_107 = tpu.vector_load %arg10[%swap3A, %swap3A_106] {strides = array<i32>} : memref<128x64xf32, #tpu.memory_space<vmem>>, vector<1x16xf32>,
        %swap3A_108 = vector.shape_cast %swap3A_107 : vector<1x16xf32> to vector<16xf32>
        %swap3A_109 = vector.shape_cast %add3A_105 : vector<16xf32> to vector<1x16xf32>
        tpu.vector_store %arg10[%swap3A, %swap3A_106], %swap3A_109 {strides = array<i32>} : memref<128x64xf32, #tpu.memory_space<vmem>>, vector<1x16xf32>,
        %get3A_110 = arith.index_cast %scan3A_94 : i32 to index
        %get3A_111 = arith.constant 16 : index
        %get3A_112 = tpu.vector_load %arg8[%get3A_110, %get3A_111] {strides = array<i32>} : memref<128x128xf32, #tpu.memory_space<vmem>>, vector<1x16xf32>,
        %get3A_113 = vector.shape_cast %get3A_112 : vector<1x16xf32> to vector<16xf32>
        %get3A_114 = arith.index_cast %select_n3A : i32 to index
        %get3A_115 = arith.constant 16 : index
        %get3A_116 = tpu.vector_load %arg11[%get3A_114, %get3A_115] {strides = array<i32>} : memref<200x128xf32, #tpu.memory_space<vmem>>, vector<1x16xf32>,
        %get3A_117 = vector.shape_cast %get3A_116 : vector<1x16xf32> to vector<16xf32>
        %add3A_118 = arith.addf %get3A_113, %get3A_117 : vector<16xf32>
        %swap3A_119 = arith.index_cast %scan3A_94 : i32 to index
        %swap3A_120 = arith.constant 16 : index
        %swap3A_121 = tpu.vector_load %arg10[%swap3A_119, %swap3A_120] {strides = array<i32>} : memref<128x64xf32, #tpu.memory_space<vmem>>, vector<1x16xf32>,
        %swap3A_122 = vector.shape_cast %swap3A_121 : vector<1x16xf32> to vector<16xf32>
        %swap3A_123 = vector.shape_cast %add3A_118 : vector<16xf32> to vector<1x16xf32>
        tpu.vector_store %arg10[%swap3A_119, %swap3A_120], %swap3A_123 {strides = array<i32>} : memref<128x64xf32, #tpu.memory_space<vmem>>, vector<1x16xf32>,
        %get3A_124 = arith.index_cast %scan3A_94 : i32 to index
        %get3A_125 = arith.constant 32 : index
        %get3A_126 = tpu.vector_load %arg8[%get3A_124, %get3A_125] {strides = array<i32>} : memref<128x128xf32, #tpu.memory_space<vmem>>, vector<1x16xf32>,
        %get3A_127 = vector.shape_cast %get3A_126 : vector<1x16xf32> to vector<16xf32>
        %get3A_128 = arith.index_cast %select_n3A : i32 to index
        %get3A_129 = arith.constant 32 : index
        %get3A_130 = tpu.vector_load %arg11[%get3A_128, %get3A_129] {strides = array<i32>} : memref<200x128xf32, #tpu.memory_space<vmem>>, vector<1x16xf32>,
        %get3A_131 = vector.shape_cast %get3A_130 : vector<1x16xf32> to vector<16xf32>
        %add3A_132 = arith.addf %get3A_127, %get3A_131 : vector<16xf32>
        %swap3A_133 = arith.index_cast %scan3A_94 : i32 to index
        %swap3A_134 = arith.constant 32 : index
        %swap3A_135 = tpu.vector_load %arg10[%swap3A_133, %swap3A_134] {strides = array<i32>} : memref<128x64xf32, #tpu.memory_space<vmem>>, vector<1x16xf32>,
        %swap3A_136 = vector.shape_cast %swap3A_135 : vector<1x16xf32> to vector<16xf32>
        %swap3A_137 = vector.shape_cast %add3A_132 : vector<16xf32> to vector<1x16xf32>
        tpu.vector_store %arg10[%swap3A_133, %swap3A_134], %swap3A_137 {strides = array<i32>} : memref<128x64xf32, #tpu.memory_space<vmem>>, vector<1x16xf32>,
        %get3A_138 = arith.index_cast %scan3A_94 : i32 to index
        %get3A_139 = arith.constant 48 : index
        %get3A_140 = tpu.vector_load %arg8[%get3A_138, %get3A_139] {strides = array<i32>} : memref<128x128xf32, #tpu.memory_space<vmem>>, vector<1x16xf32>,
        %get3A_141 = vector.shape_cast %get3A_140 : vector<1x16xf32> to vector<16xf32>
        %get3A_142 = arith.index_cast %select_n3A : i32 to index
        %get3A_143 = arith.constant 48 : index
        %get3A_144 = tpu.vector_load %arg11[%get3A_142, %get3A_143] {strides = array<i32>} : memref<200x128xf32, #tpu.memory_space<vmem>>, vector<1x16xf32>,
        %get3A_145 = vector.shape_cast %get3A_144 : vector<1x16xf32> to vector<16xf32>
        %add3A_146 = arith.addf %get3A_141, %get3A_145 : vector<16xf32>
        %swap3A_147 = arith.index_cast %scan3A_94 : i32 to index
        %swap3A_148 = arith.constant 48 : index
        %swap3A_149 = tpu.vector_load %arg10[%swap3A_147, %swap3A_148] {strides = array<i32>} : memref<128x64xf32, #tpu.memory_space<vmem>>, vector<1x16xf32>,
        %swap3A_150 = vector.shape_cast %swap3A_149 : vector<1x16xf32> to vector<16xf32>
        %swap3A_151 = vector.shape_cast %add3A_146 : vector<16xf32> to vector<1x16xf32>
        tpu.vector_store %arg10[%swap3A_147, %swap3A_148], %swap3A_151 {strides = array<i32>} : memref<128x64xf32, #tpu.memory_space<vmem>>, vector<1x16xf32>,
        %scan3A_152 = arith.constant 1 : i32
        %scan3A_153 = arith.addi %scan3A_94, %scan3A_152 : i32
        %add3A_154 = arith.addi %rem3A_78, %scan3A_153 : i32
        %ge3A_155 = arith.constant 200 : i32
        %ge3A_156 = arith.cmpi sge, %add3A_154, %ge3A_155 : i32
        %sub3A_157 = arith.constant 200 : i32
        %sub3A_158 = arith.subi %add3A_154, %sub3A_157 : i32
        %select_n3A_159 = arith.select %ge3A_156, %sub3A_158, %add3A_154 : i32
        %get3A_160 = arith.index_cast %scan3A_153 : i32 to index
        %get3A_161 = arith.constant 0 : index
        %get3A_162 = tpu.vector_load %arg8[%get3A_160, %get3A_161] {strides = array<i32>} : memref<128x128xf32, #tpu.memory_space<vmem>>, vector<1x16xf32>,
        %get3A_163 = vector.shape_cast %get3A_162 : vector<1x16xf32> to vector<16xf32>
        %get3A_164 = arith.index_cast %select_n3A_159 : i32 to index
        %get3A_165 = arith.constant 0 : index
        %get3A_166 = tpu.vector_load %arg11[%get3A_164, %get3A_165] {strides = array<i32>} : memref<200x128xf32, #tpu.memory_space<vmem>>, vector<1x16xf32>,
        %get3A_167 = vector.shape_cast %get3A_166 : vector<1x16xf32> to vector<16xf32>
        %add3A_168 = arith.addf %get3A_163, %get3A_167 : vector<16xf32>
        %swap3A_169 = arith.index_cast %scan3A_153 : i32 to index
        %swap3A_170 = arith.constant 0 : index
        %swap3A_171 = tpu.vector_load %arg10[%swap3A_169, %swap3A_170] {strides = array<i32>} : memref<128x64xf32, #tpu.memory_space<vmem>>, vector<1x16xf32>,
        %swap3A_172 = vector.shape_cast %swap3A_171 : vector<1x16xf32> to vector<16xf32>
        %swap3A_173 = vector.shape_cast %add3A_168 : vector<16xf32> to vector<1x16xf32>
        tpu.vector_store %arg10[%swap3A_169, %swap3A_170], %swap3A_173 {strides = array<i32>} : memref<128x64xf32, #tpu.memory_space<vmem>>, vector<1x16xf32>,
        %get3A_174 = arith.index_cast %scan3A_153 : i32 to index
        %get3A_175 = arith.constant 16 : index
        %get3A_176 = tpu.vector_load %arg8[%get3A_174, %get3A_175] {strides = array<i32>} : memref<128x128xf32, #tpu.memory_space<vmem>>, vector<1x16xf32>,
        %get3A_177 = vector.shape_cast %get3A_176 : vector<1x16xf32> to vector<16xf32>
        %get3A_178 = arith.index_cast %select_n3A_159 : i32 to index
        %get3A_179 = arith.constant 16 : index
        %get3A_180 = tpu.vector_load %arg11[%get3A_178, %get3A_179] {strides = array<i32>} : memref<200x128xf32, #tpu.memory_space<vmem>>, vector<1x16xf32>,
        %get3A_181 = vector.shape_cast %get3A_180 : vector<1x16xf32> to vector<16xf32>
        %add3A_182 = arith.addf %get3A_177, %get3A_181 : vector<16xf32>
        %swap3A_183 = arith.index_cast %scan3A_153 : i32 to index
        %swap3A_184 = arith.constant 16 : index
        %swap3A_185 = tpu.vector_load %arg10[%swap3A_183, %swap3A_184] {strides = array<i32>} : memref<128x64xf32, #tpu.memory_space<vmem>>, vector<1x16xf32>,
        %swap3A_186 = vector.shape_cast %swap3A_185 : vector<1x16xf32> to vector<16xf32>
        %swap3A_187 = vector.shape_cast %add3A_182 : vector<16xf32> to vector<1x16xf32>
        tpu.vector_store %arg10[%swap3A_183, %swap3A_184], %swap3A_187 {strides = array<i32>} : memref<128x64xf32, #tpu.memory_space<vmem>>, vector<1x16xf32>,
        %get3A_188 = arith.index_cast %scan3A_153 : i32 to index
        %get3A_189 = arith.constant 32 : index
        %get3A_190 = tpu.vector_load %arg8[%get3A_188, %get3A_189] {strides = array<i32>} : memref<128x128xf32, #tpu.memory_space<vmem>>, vector<1x16xf32>,
        %get3A_191 = vector.shape_cast %get3A_190 : vector<1x16xf32> to vector<16xf32>
        %get3A_192 = arith.index_cast %select_n3A_159 : i32 to index
        %get3A_193 = arith.constant 32 : index
        %get3A_194 = tpu.vector_load %arg11[%get3A_192, %get3A_193] {strides = array<i32>} : memref<200x128xf32, #tpu.memory_space<vmem>>, vector<1x16xf32>,
        %get3A_195 = vector.shape_cast %get3A_194 : vector<1x16xf32> to vector<16xf32>
        %add3A_196 = arith.addf %get3A_191, %get3A_195 : vector<16xf32>
        %swap3A_197 = arith.index_cast %scan3A_153 : i32 to index
        %swap3A_198 = arith.constant 32 : index
        %swap3A_199 = tpu.vector_load %arg10[%swap3A_197, %swap3A_198] {strides = array<i32>} : memref<128x64xf32, #tpu.memory_space<vmem>>, vector<1x16xf32>,
        %swap3A_200 = vector.shape_cast %swap3A_199 : vector<1x16xf32> to vector<16xf32>
        %swap3A_201 = vector.shape_cast %add3A_196 : vector<16xf32> to vector<1x16xf32>
        tpu.vector_store %arg10[%swap3A_197, %swap3A_198], %swap3A_201 {strides = array<i32>} : memref<128x64xf32, #tpu.memory_space<vmem>>, vector<1x16xf32>,
        %get3A_202 = arith.index_cast %scan3A_153 : i32 to index
        %get3A_203 = arith.constant 48 : index
        %get3A_204 = tpu.vector_load %arg8[%get3A_202, %get3A_203] {strides = array<i32>} : memref<128x128xf32, #tpu.memory_space<vmem>>, vector<1x16xf32>,
        %get3A_205 = vector.shape_cast %get3A_204 : vector<1x16xf32> to vector<16xf32>
        %get3A_206 = arith.index_cast %select_n3A_159 : i32 to index
        %get3A_207 = arith.constant 48 : index
        %get3A_208 = tpu.vector_load %arg11[%get3A_206, %get3A_207] {strides = array<i32>} : memref<200x128xf32, #tpu.memory_space<vmem>>, vector<1x16xf32>,
        %get3A_209 = vector.shape_cast %get3A_208 : vector<1x16xf32> to vector<16xf32>
        %add3A_210 = arith.addf %get3A_205, %get3A_209 : vector<16xf32>
        %swap3A_211 = arith.index_cast %scan3A_153 : i32 to index
        %swap3A_212 = arith.constant 48 : index
        %swap3A_213 = tpu.vector_load %arg10[%swap3A_211, %swap3A_212] {strides = array<i32>} : memref<128x64xf32, #tpu.memory_space<vmem>>, vector<1x16xf32>,
        %swap3A_214 = vector.shape_cast %swap3A_213 : vector<1x16xf32> to vector<16xf32>
        %swap3A_215 = vector.shape_cast %add3A_210 : vector<16xf32> to vector<1x16xf32>
        tpu.vector_store %arg10[%swap3A_211, %swap3A_212], %swap3A_215 {strides = array<i32>} : memref<128x64xf32, #tpu.memory_space<vmem>>, vector<1x16xf32>,
        %scan3A_216 = arith.constant 2 : i32
        %scan3A_217 = arith.addi %scan3A_94, %scan3A_216 : i32
        %add3A_218 = arith.addi %rem3A_78, %scan3A_217 : i32
        %ge3A_219 = arith.constant 200 : i32
        %ge3A_220 = arith.cmpi sge, %add3A_218, %ge3A_219 : i32
        %sub3A_221 = arith.constant 200 : i32
        %sub3A_222 = arith.subi %add3A_218, %sub3A_221 : i32
        %select_n3A_223 = arith.select %ge3A_220, %sub3A_222, %add3A_218 : i32
        %get3A_224 = arith.index_cast %scan3A_217 : i32 to index
        %get3A_225 = arith.constant 0 : index
        %get3A_226 = tpu.vector_load %arg8[%get3A_224, %get3A_225] {strides = array<i32>} : memref<128x128xf32, #tpu.memory_space<vmem>>, vector<1x16xf32>,
        %get3A_227 = vector.shape_cast %get3A_226 : vector<1x16xf32> to vector<16xf32>
        %get3A_228 = arith.index_cast %select_n3A_223 : i32 to index
        %get3A_229 = arith.constant 0 : index
        %get3A_230 = tpu.vector_load %arg11[%get3A_228, %get3A_229] {strides = array<i32>} : memref<200x128xf32, #tpu.memory_space<vmem>>, vector<1x16xf32>,
        %get3A_231 = vector.shape_cast %get3A_230 : vector<1x16xf32> to vector<16xf32>
        %add3A_232 = arith.addf %get3A_227, %get3A_231 : vector<16xf32>
        %swap3A_233 = arith.index_cast %scan3A_217 : i32 to index
        %swap3A_234 = arith.constant 0 : index
        %swap3A_235 = tpu.vector_load %arg10[%swap3A_233, %swap3A_234] {strides = array<i32>} : memref<128x64xf32, #tpu.memory_space<vmem>>, vector<1x16xf32>,
        %swap3A_236 = vector.shape_cast %swap3A_235 : vector<1x16xf32> to vector<16xf32>
        %swap3A_237 = vector.shape_cast %add3A_232 : vector<16xf32> to vector<1x16xf32>
        tpu.vector_store %arg10[%swap3A_233, %swap3A_234], %swap3A_237 {strides = array<i32>} : memref<128x64xf32, #tpu.memory_space<vmem>>, vector<1x16xf32>,
        %get3A_238 = arith.index_cast %scan3A_217 : i32 to index
        %get3A_239 = arith.constant 16 : index
        %get3A_240 = tpu.vector_load %arg8[%get3A_238, %get3A_239] {strides = array<i32>} : memref<128x128xf32, #tpu.memory_space<vmem>>, vector<1x16xf32>,
        %get3A_241 = vector.shape_cast %get3A_240 : vector<1x16xf32> to vector<16xf32>
        %get3A_242 = arith.index_cast %select_n3A_223 : i32 to index
        %get3A_243 = arith.constant 16 : index
        %get3A_244 = tpu.vector_load %arg11[%get3A_242, %get3A_243] {strides = array<i32>} : memref<200x128xf32, #tpu.memory_space<vmem>>, vector<1x16xf32>,
        %get3A_245 = vector.shape_cast %get3A_244 : vector<1x16xf32> to vector<16xf32>
        %add3A_246 = arith.addf %get3A_241, %get3A_245 : vector<16xf32>
        %swap3A_247 = arith.index_cast %scan3A_217 : i32 to index
        %swap3A_248 = arith.constant 16 : index
        %swap3A_249 = tpu.vector_load %arg10[%swap3A_247, %swap3A_248] {strides = array<i32>} : memref<128x64xf32, #tpu.memory_space<vmem>>, vector<1x16xf32>,
        %swap3A_250 = vector.shape_cast %swap3A_249 : vector<1x16xf32> to vector<16xf32>
        %swap3A_251 = vector.shape_cast %add3A_246 : vector<16xf32> to vector<1x16xf32>
        tpu.vector_store %arg10[%swap3A_247, %swap3A_248], %swap3A_251 {strides = array<i32>} : memref<128x64xf32, #tpu.memory_space<vmem>>, vector<1x16xf32>,
        %get3A_252 = arith.index_cast %scan3A_217 : i32 to index
        %get3A_253 = arith.constant 32 : index
        %get3A_254 = tpu.vector_load %arg8[%get3A_252, %get3A_253] {strides = array<i32>} : memref<128x128xf32, #tpu.memory_space<vmem>>, vector<1x16xf32>,
        %get3A_255 = vector.shape_cast %get3A_254 : vector<1x16xf32> to vector<16xf32>
        %get3A_256 = arith.index_cast %select_n3A_223 : i32 to index
        %get3A_257 = arith.constant 32 : index
        %get3A_258 = tpu.vector_load %arg11[%get3A_256, %get3A_257] {strides = array<i32>} : memref<200x128xf32, #tpu.memory_space<vmem>>, vector<1x16xf32>,
        %get3A_259 = vector.shape_cast %get3A_258 : vector<1x16xf32> to vector<16xf32>
        %add3A_260 = arith.addf %get3A_255, %get3A_259 : vector<16xf32>
        %swap3A_261 = arith.index_cast %scan3A_217 : i32 to index
        %swap3A_262 = arith.constant 32 : index
        %swap3A_263 = tpu.vector_load %arg10[%swap3A_261, %swap3A_262] {strides = array<i32>} : memref<128x64xf32, #tpu.memory_space<vmem>>, vector<1x16xf32>,
        %swap3A_264 = vector.shape_cast %swap3A_263 : vector<1x16xf32> to vector<16xf32>
        %swap3A_265 = vector.shape_cast %add3A_260 : vector<16xf32> to vector<1x16xf32>
        tpu.vector_store %arg10[%swap3A_261, %swap3A_262], %swap3A_265 {strides = array<i32>} : memref<128x64xf32, #tpu.memory_space<vmem>>, vector<1x16xf32>,
        %get3A_266 = arith.index_cast %scan3A_217 : i32 to index
        %get3A_267 = arith.constant 48 : index
        %get3A_268 = tpu.vector_load %arg8[%get3A_266, %get3A_267] {strides = array<i32>} : memref<128x128xf32, #tpu.memory_space<vmem>>, vector<1x16xf32>,
        %get3A_269 = vector.shape_cast %get3A_268 : vector<1x16xf32> to vector<16xf32>
        %get3A_270 = arith.index_cast %select_n3A_223 : i32 to index
        %get3A_271 = arith.constant 48 : index
        %get3A_272 = tpu.vector_load %arg11[%get3A_270, %get3A_271] {strides = array<i32>} : memref<200x128xf32, #tpu.memory_space<vmem>>, vector<1x16xf32>,
        %get3A_273 = vector.shape_cast %get3A_272 : vector<1x16xf32> to vector<16xf32>
        %add3A_274 = arith.addf %get3A_269, %get3A_273 : vector<16xf32>
        %swap3A_275 = arith.index_cast %scan3A_217 : i32 to index
        %swap3A_276 = arith.constant 48 : index
        %swap3A_277 = tpu.vector_load %arg10[%swap3A_275, %swap3A_276] {strides = array<i32>} : memref<128x64xf32, #tpu.memory_space<vmem>>, vector<1x16xf32>,
        %swap3A_278 = vector.shape_cast %swap3A_277 : vector<1x16xf32> to vector<16xf32>
        %swap3A_279 = vector.shape_cast %add3A_274 : vector<16xf32> to vector<1x16xf32>
        tpu.vector_store %arg10[%swap3A_275, %swap3A_276], %swap3A_279 {strides = array<i32>} : memref<128x64xf32, #tpu.memory_space<vmem>>, vector<1x16xf32>,
        %scan3A_280 = arith.constant 3 : i32
        %scan3A_281 = arith.addi %scan3A_94, %scan3A_280 : i32
        %add3A_282 = arith.addi %rem3A_78, %scan3A_281 : i32
        %ge3A_283 = arith.constant 200 : i32
        %ge3A_284 = arith.cmpi sge, %add3A_282, %ge3A_283 : i32
        %sub3A_285 = arith.constant 200 : i32
        %sub3A_286 = arith.subi %add3A_282, %sub3A_285 : i32
        %select_n3A_287 = arith.select %ge3A_284, %sub3A_286, %add3A_282 : i32
        %get3A_288 = arith.index_cast %scan3A_281 : i32 to index
        %get3A_289 = arith.constant 0 : index
        %get3A_290 = tpu.vector_load %arg8[%get3A_288, %get3A_289] {strides = array<i32>} : memref<128x128xf32, #tpu.memory_space<vmem>>, vector<1x16xf32>,
        %get3A_291 = vector.shape_cast %get3A_290 : vector<1x16xf32> to vector<16xf32>
        %get3A_292 = arith.index_cast %select_n3A_287 : i32 to index
        %get3A_293 = arith.constant 0 : index
        %get3A_294 = tpu.vector_load %arg11[%get3A_292, %get3A_293] {strides = array<i32>} : memref<200x128xf32, #tpu.memory_space<vmem>>, vector<1x16xf32>,
        %get3A_295 = vector.shape_cast %get3A_294 : vector<1x16xf32> to vector<16xf32>
        %add3A_296 = arith.addf %get3A_291, %get3A_295 : vector<16xf32>
        %swap3A_297 = arith.index_cast %scan3A_281 : i32 to index
        %swap3A_298 = arith.constant 0 : index
        %swap3A_299 = tpu.vector_load %arg10[%swap3A_297, %swap3A_298] {strides = array<i32>} : memref<128x64xf32, #tpu.memory_space<vmem>>, vector<1x16xf32>,
        %swap3A_300 = vector.shape_cast %swap3A_299 : vector<1x16xf32> to vector<16xf32>
        %swap3A_301 = vector.shape_cast %add3A_296 : vector<16xf32> to vector<1x16xf32>
        tpu.vector_store %arg10[%swap3A_297, %swap3A_298], %swap3A_301 {strides = array<i32>} : memref<128x64xf32, #tpu.memory_space<vmem>>, vector<1x16xf32>,
        %get3A_302 = arith.index_cast %scan3A_281 : i32 to index
        %get3A_303 = arith.constant 16 : index
        %get3A_304 = tpu.vector_load %arg8[%get3A_302, %get3A_303] {strides = array<i32>} : memref<128x128xf32, #tpu.memory_space<vmem>>, vector<1x16xf32>,
        %get3A_305 = vector.shape_cast %get3A_304 : vector<1x16xf32> to vector<16xf32>
        %get3A_306 = arith.index_cast %select_n3A_287 : i32 to index
        %get3A_307 = arith.constant 16 : index
        %get3A_308 = tpu.vector_load %arg11[%get3A_306, %get3A_307] {strides = array<i32>} : memref<200x128xf32, #tpu.memory_space<vmem>>, vector<1x16xf32>,
        %get3A_309 = vector.shape_cast %get3A_308 : vector<1x16xf32> to vector<16xf32>
        %add3A_310 = arith.addf %get3A_305, %get3A_309 : vector<16xf32>
        %swap3A_311 = arith.index_cast %scan3A_281 : i32 to index
        %swap3A_312 = arith.constant 16 : index
        %swap3A_313 = tpu.vector_load %arg10[%swap3A_311, %swap3A_312] {strides = array<i32>} : memref<128x64xf32, #tpu.memory_space<vmem>>, vector<1x16xf32>,
        %swap3A_314 = vector.shape_cast %swap3A_313 : vector<1x16xf32> to vector<16xf32>
        %swap3A_315 = vector.shape_cast %add3A_310 : vector<16xf32> to vector<1x16xf32>
        tpu.vector_store %arg10[%swap3A_311, %swap3A_312], %swap3A_315 {strides = array<i32>} : memref<128x64xf32, #tpu.memory_space<vmem>>, vector<1x16xf32>,
        %get3A_316 = arith.index_cast %scan3A_281 : i32 to index
        %get3A_317 = arith.constant 32 : index
        %get3A_318 = tpu.vector_load %arg8[%get3A_316, %get3A_317] {strides = array<i32>} : memref<128x128xf32, #tpu.memory_space<vmem>>, vector<1x16xf32>,
        %get3A_319 = vector.shape_cast %get3A_318 : vector<1x16xf32> to vector<16xf32>
        %get3A_320 = arith.index_cast %select_n3A_287 : i32 to index
        %get3A_321 = arith.constant 32 : index
        %get3A_322 = tpu.vector_load %arg11[%get3A_320, %get3A_321] {strides = array<i32>} : memref<200x128xf32, #tpu.memory_space<vmem>>, vector<1x16xf32>,
        %get3A_323 = vector.shape_cast %get3A_322 : vector<1x16xf32> to vector<16xf32>
        %add3A_324 = arith.addf %get3A_319, %get3A_323 : vector<16xf32>
        %swap3A_325 = arith.index_cast %scan3A_281 : i32 to index
        %swap3A_326 = arith.constant 32 : index
        %swap3A_327 = tpu.vector_load %arg10[%swap3A_325, %swap3A_326] {strides = array<i32>} : memref<128x64xf32, #tpu.memory_space<vmem>>, vector<1x16xf32>,
        %swap3A_328 = vector.shape_cast %swap3A_327 : vector<1x16xf32> to vector<16xf32>
        %swap3A_329 = vector.shape_cast %add3A_324 : vector<16xf32> to vector<1x16xf32>
        tpu.vector_store %arg10[%swap3A_325, %swap3A_326], %swap3A_329 {strides = array<i32>} : memref<128x64xf32, #tpu.memory_space<vmem>>, vector<1x16xf32>,
        %get3A_330 = arith.index_cast %scan3A_281 : i32 to index
        %get3A_331 = arith.constant 48 : index
        %get3A_332 = tpu.vector_load %arg8[%get3A_330, %get3A_331] {strides = array<i32>} : memref<128x128xf32, #tpu.memory_space<vmem>>, vector<1x16xf32>,
        %get3A_333 = vector.shape_cast %get3A_332 : vector<1x16xf32> to vector<16xf32>
        %get3A_334 = arith.index_cast %select_n3A_287 : i32 to index
        %get3A_335 = arith.constant 48 : index
        %get3A_336 = tpu.vector_load %arg11[%get3A_334, %get3A_335] {strides = array<i32>} : memref<200x128xf32, #tpu.memory_space<vmem>>, vector<1x16xf32>,
        %get3A_337 = vector.shape_cast %get3A_336 : vector<1x16xf32> to vector<16xf32>
        %add3A_338 = arith.addf %get3A_333, %get3A_337 : vector<16xf32>
        %swap3A_339 = arith.index_cast %scan3A_281 : i32 to index
        %swap3A_340 = arith.constant 48 : index
        %swap3A_341 = tpu.vector_load %arg10[%swap3A_339, %swap3A_340] {strides = array<i32>} : memref<128x64xf32, #tpu.memory_space<vmem>>, vector<1x16xf32>,
        %swap3A_342 = vector.shape_cast %swap3A_341 : vector<1x16xf32> to vector<16xf32>
        %swap3A_343 = vector.shape_cast %add3A_338 : vector<16xf32> to vector<1x16xf32>
        tpu.vector_store %arg10[%swap3A_339, %swap3A_340], %swap3A_343 {strides = array<i32>} : memref<128x64xf32, #tpu.memory_space<vmem>>, vector<1x16xf32>,
      }
      %scan3A_84 = arith.constant 128 : i32
      %gt3A_85 = arith.constant 0 : i32
      %gt3A_86 = arith.cmpi sgt, %scan3A_25, %gt3A_85 : i32
      %convert_element_type3A_87 = arith.extui %gt3A_86 : i1 to i32
      %cond3A_88 = arith.constant 0 : i32
      %cond3A_89 = arith.cmpi ne, %convert_element_type3A_87, %cond3A_88 : i32
      scf.if %cond3A_89 {
        %dma_wait3A_94 = arith.constant 0 : i32
        %dma_wait3A_95 = arith.constant 0 : i32
        %dma_wait3A_96 = tpu.memref_slice %arg5[%dma_wait3A_94, %dma_wait3A_95] : memref<204800x64xf32, #tpu.memory_space<hbm>> -> memref<128x64xf32, #tpu.memory_space<hbm>>
        %dma_wait3A_97 = arith.constant 0 : i32
        %dma_wait3A_98 = arith.constant 0 : i32
        %dma_wait3A_99 = tpu.memref_slice %arg5[%dma_wait3A_97, %dma_wait3A_98] : memref<204800x64xf32, #tpu.memory_space<hbm>> -> memref<128x64xf32, #tpu.memory_space<hbm>>
        tpu.wait_dma2 semaphore(%arg15 : memref<!tpu.dma_semaphore, #tpu.memory_space<semaphore_mem>>) src(%arg10 : memref<128x64xf32, #tpu.memory_space<vmem>>) dst(%dma_wait3A_99 : memref<128x64xf32, #tpu.memory_space<hbm>>)
      } else {
      }
      %dma_start3A_90 = arith.constant 0 : i32
      %dma_start3A_91 = tpu.memref_slice %arg5[%mul3A_76, %dma_start3A_90] : memref<204800x64xf32, #tpu.memory_space<hbm>> -> memref<128x64xf32, #tpu.memory_space<hbm>>
      %dma_start3A_92 = arith.constant 0 : i32
      %dma_start3A_93 = tpu.memref_slice %arg5[%mul3A_76, %dma_start3A_92] : memref<204800x64xf32, #tpu.memory_space<hbm>> -> memref<128x64xf32, #tpu.memory_space<hbm>>
      tpu.enqueue_dma source(%arg10 : memref<128x64xf32, #tpu.memory_space<vmem>>) target(%dma_start3A_93 : memref<128x64xf32, #tpu.memory_space<hbm>>) target_semaphore(%arg15 : memref<!tpu.dma_semaphore, #tpu.memory_space<semaphore_mem>>)
    }
    %scan3A_13 = arith.constant 25 : i32
    %dma_wait3A = arith.constant 0 : i32
    %dma_wait3A_14 = arith.constant 0 : i32
    %dma_wait3A_15 = tpu.memref_slice %arg5[%dma_wait3A, %dma_wait3A_14] : memref<204800x64xf32, #tpu.memory_space<hbm>> -> memref<128x64xf32, #tpu.memory_space<hbm>>
    %dma_wait3A_16 = arith.constant 0 : i32
    %dma_wait3A_17 = arith.constant 0 : i32
    %dma_wait3A_18 = tpu.memref_slice %arg5[%dma_wait3A_16, %dma_wait3A_17] : memref<204800x64xf32, #tpu.memory_space<hbm>> -> memref<128x64xf32, #tpu.memory_space<hbm>>
    tpu.wait_dma2 semaphore(%arg14 : memref<!tpu.dma_semaphore, #tpu.memory_space<semaphore_mem>>) src(%arg9 : memref<128x64xf32, #tpu.memory_space<vmem>>) dst(%dma_wait3A_18 : memref<128x64xf32, #tpu.memory_space<hbm>>)
    %dma_wait3A_19 = arith.constant 0 : i32
    %dma_wait3A_20 = arith.constant 0 : i32
    %dma_wait3A_21 = tpu.memref_slice %arg5[%dma_wait3A_19, %dma_wait3A_20] : memref<204800x64xf32, #tpu.memory_space<hbm>> -> memref<128x64xf32, #tpu.memory_space<hbm>>
    %dma_wait3A_22 = arith.constant 0 : i32
    %dma_wait3A_23 = arith.constant 0 : i32
    %dma_wait3A_24 = tpu.memref_slice %arg5[%dma_wait3A_22, %dma_wait3A_23] : memref<204800x64xf32, #tpu.memory_space<hbm>> -> memref<128x64xf32, #tpu.memory_space<hbm>>
    tpu.wait_dma2 semaphore(%arg15 : memref<!tpu.dma_semaphore, #tpu.memory_space<semaphore_mem>>) src(%arg10 : memref<128x64xf32, #tpu.memory_space<vmem>>) dst(%dma_wait3A_24 : memref<128x64xf32, #tpu.memory_space<hbm>>)
    return
  }
}

</mosaic_0001>

<sc_bundles>
// kernel: kernel.3.cloned.1.call-start
scs
__scs_entry_jumppad:
0x0: {  	(pc) =	sbr.rel $0x88, $3  }
0x1: {  	(tag) =	ssettag $0x0;
	lr =	simm.s32 $0x1  }
0x2: {  	[smem:$0x3F9F] =	sst lr;
	_ =	strace $0xD0000000  }
0x3: {  	_ = 	snop  }
0x4: {  	_ = 	snop  }
0x5: {  	_ = 	snop  }
0x6: {  	_ = 	snop  }
0x7: {  	_ = 	snop  }
__scs_overlays_trampoline_lowered:
0x8: {  	[smem:$0x3FAE] =	sst s0  }
0x9: {  	[smem:$0x3FAF] =	sst s1  }
0xa: {  	[smem:$0x3FB0] =	sst s2  }
0xb: {  	[smem:$0x3FB1] =	sst s3  }
0xc: {  	[smem:$0x3FB2] =	sst s4  }
0xd: {  	[smem:$0x3FB3] =	sst s5  }
0xe: {  	[smem:$0x3FB4] =	sst s6  }
0xf: {  	[smem:$0x3FB5] =	sst s7  }
0x10: {  	[smem:$0x3FB6] =	sst s8  }
0x11: {  	[smem:$0x3FB7] =	sst s9;
	s0 =	simm.s32 @!p0 $0x0  }
0x12: {  	s1 =	sld [smem:$0x3F9D];
	s0 =	simm.s32 @p0 $0x1  }
0x13: {  	[smem:$0x3FB8] =	sst s0;
	s0 =	simm.s32 @!p1 $0x0  }
0x14: {  	s2 =	sld [smem:$0x3F9C];
	s0 =	simm.s32 @p1 $0x1  }
0x15: {  	[smem:$0x3FB9] =	sst s0;
	s0 =	simm.s32 @!p2 $0x0  }
0x16: {  	s3 =	sld [smem:$0x3FDB];
	s0 =	simm.s32 @p2 $0x1  }
0x17: {  	s4 =	simm.s32 $0x1BF5;
	[smem:$0x3FBB] =	sst s0  }
0x18: {  	s0 =	sld [smem:$0x3F9E];
	_ =	swait.ge [sflag:s4], $0x0  }
0x19: {  	s7 =	sld [smem:$0x3F9F]  }
0x1a: {  	s8 =	sadd.s32 $0xFFFFE003, lr  }
0x1b: {  	s9 =	sadd.s32 $0xFFFFFEF7, lr;
	s5 =	simm.s32 $0xFFFFFFFF;
	p2 =	slt.u32 s8, $0xFFFFF086  }
0x1c: {  	p1 =	slt.u32 s9, $0xF7A;
	s5 =	simm.s32 @!p2 $0x0  }
0x1d: {  	s5 =	simm.s32 @p1 $0x1;
	p0 =	seq.s32 s7, s2  }
0x1e: {  	s7 =	smul.u32 @!p0 $0xF7A, s2;
	p2 =	seq.s32 @!p0 s5, $0x0  }
0x1f: {  	s9 =	smul.u32 $0xF7A, s1;
	s8 =	simm.s32 @!p0 $0x1BF5;
	p2 =	por !p2, p0  }
0x20: {  	[sflag:s8] =	ssyncset.s32 @!p0 $0xFFFFF086;
	s6 =	sadd.s32 @!p0 s3, s7;
	s7 =	simm.s32 @!p0 $0x108  }
0x21: {  	s3 =	sadd.s32 s3, s9;
	s6 =	sadd.s32 @!p0 $0x88, s6;
	s7 =	simm.s32 @p2 $0x1082  }
0x22: {  	[simem:s7], [sflag:s8] =	dma.local @!p0 [hbm:s6], $0xF7A  }
0x23: {  	s9 =	sor.u32 $0xD0000000, s2;
	s6 =	simm.s32 $0x108;
	_ =	swait.ge @!p0 [sflag:s8], $0x0  }
0x24: {  	s3 =	sadd.s32 $0x88, s3;
	s6 =	simm.s32 @!p1 $0x1082;
	[sflag:s4] =	ssyncset.s32 $0xFFFFF086  }
0x25: {  	[simem:s6], [sflag:s4] =	dma.local [hbm:s3], $0xF7A  }
0x26: {  	[smem:$0x3F9F] =	sst s1;
	(tag) =	ssettag s2;
	_ =	strace s9  }
0x27: {  	s1 =	sld [smem:$0x3FAF]  }
0x28: {  	s2 =	sld [smem:$0x3FB0]  }
0x29: {  	s4 =	sld [smem:$0x3FB2]  }
0x2a: {  	p0 =	seq.s32 s5, $0x0;
	s5 =	sld [smem:$0x3FB3]  }
0x2b: {  	s6 =	sld [smem:$0x3FB4]  }
0x2c: {  	s7 =	sld [smem:$0x3FB5]  }
0x2d: {  	s3 =	simm.s32 $0x108;
	s8 =	sld [smem:$0x3FB6]  }
0x2e: {  	s3 =	simm.s32 @!p0 $0x1082;
	s9 =	sld [smem:$0x3FB7]  }
0x2f: {  	lr =	sadd.s32 s0, s3;
	s0 =	sld [smem:$0x3FAE]  }
0x30: {  	s3 =	sld [smem:$0x3FB1]  }
0x31: {  	[smem:$0x3FBA] =	sst s10  }
0x32: {  	s10 =	sld [smem:$0x3FB8];
	_ =	sdelay $0x3  }
0x33: {  	p0 =	seq.s32 s10, $0x1;
	s10 =	sld [smem:$0x3FBA];
	_ =	sdelay $0x3  }
0x34: {  	[smem:$0x3FBA] =	sst s10  }
0x35: {  	s10 =	sld [smem:$0x3FB9];
	_ =	sdelay $0x3  }
0x36: {  	p1 =	seq.s32 s10, $0x1;
	s10 =	sld [smem:$0x3FBA];
	_ =	sdelay $0x3  }
0x37: {  	[smem:$0x3FBA] =	sst s10  }
0x38: {  	s10 =	sld [smem:$0x3FBB]  }
0x39: {  	_ = 	snop;
	(pc) =	sbr.ind lr, $3  }
0x3a: {  	_ = 	snop  }
0x3b: {  	_ = 	snop  }
0x3c: {  	p2 =	seq.s32 s10, $0x1;
	s10 =	sld [smem:$0x3FBA]  }
0x3d: {  	_ =	shalt  }
0x3e: {  	_ =	shalt  }
0x3f: {  	_ =	shalt  }
0x40: {  	_ =	shalt  }
0x41: {  	_ =	shalt  }
0x42: {  	_ =	shalt  }
0x43: {  	_ =	shalt  }
0x44: {  	_ =	shalt  }
0x45: {  	_ =	shalt  }
0x46: {  	_ =	shalt  }
0x47: {  	_ =	shalt  }
0x48: {  	_ =	shalt  }
0x49: {  	_ =	shalt  }
0x4a: {  	_ =	shalt  }
0x4b: {  	_ =	shalt  }
0x4c: {  	_ =	shalt  }
0x4d: {  	_ =	shalt  }
0x4e: {  	_ =	shalt  }
0x4f: {  	_ =	shalt  }
0x50: {  	_ =	shalt  }
0x51: {  	_ =	shalt  }
0x52: {  	_ =	shalt  }
0x53: {  	_ =	shalt  }
0x54: {  	_ =	shalt  }
0x55: {  	_ =	shalt  }
0x56: {  	_ =	shalt  }
0x57: {  	_ =	shalt  }
0x58: {  	_ =	shalt  }
0x59: {  	_ =	shalt  }
0x5a: {  	_ =	shalt  }
0x5b: {  	_ =	shalt  }
0x5c: {  	_ =	shalt  }
0x5d: {  	_ =	shalt  }
0x5e: {  	_ =	shalt  }
0x5f: {  	_ =	shalt  }
0x60: {  	_ =	shalt  }
0x61: {  	_ =	shalt  }
0x62: {  	_ =	shalt  }
0x63: {  	_ =	shalt  }
0x64: {  	_ =	shalt  }
0x65: {  	_ =	shalt  }
0x66: {  	_ =	shalt  }
0x67: {  	_ =	shalt  }
0x68: {  	_ =	shalt  }
0x69: {  	_ =	shalt  }
0x6a: {  	_ =	shalt  }
0x6b: {  	_ =	shalt  }
0x6c: {  	_ =	shalt  }
0x6d: {  	_ =	shalt  }
0x6e: {  	_ =	shalt  }
0x6f: {  	_ =	shalt  }
0x70: {  	_ =	shalt  }
0x71: {  	_ =	shalt  }
0x72: {  	_ =	shalt  }
0x73: {  	_ =	shalt  }
0x74: {  	_ =	shalt  }
0x75: {  	_ =	shalt  }
0x76: {  	_ =	shalt  }
0x77: {  	_ =	shalt  }
0x78: {  	_ =	shalt  }
0x79: {  	_ =	shalt  }
0x7a: {  	_ =	shalt  }
0x7b: {  	_ =	shalt  }
0x7c: {  	_ =	shalt  }
0x7d: {  	_ =	shalt  }
0x7e: {  	_ =	shalt  }
0x7f: {  	_ =	shalt  }
0x80: {  	_ =	shalt  }
0x81: {  	_ =	shalt  }
0x82: {  	_ =	shalt  }
0x83: {  	_ =	shalt  }
0x84: {  	_ =	shalt  }
0x85: {  	_ =	shalt  }
0x86: {  	_ =	shalt  }
0x87: {  	_ =	shalt  }
.Lfunc_end0:
.L_simem_size_0:
called_computation.1_lowered:
.L_overlay_start_0:
0x88: {  	s2 =	sld [smem:$0x3FD9]  }
0x89: {  	s3 =	sld [smem:$0x3FFE];
	_ =	sdelay $0x1  }
0x8a: {  	s1 =	srdreg.scid  }
0x8b: {  	s0 =	sand.u32 $0x1, s1  }
0x8c: {  	s17 =	sshll.u32 s0, $0xA;
	s2 =	sadd.s32 s3, s2  }
0x8d: {  	s2 =	sadd.s32 s2, s17  }
0x8e: {  	[smem:$0x3FC6] =	sst s2  }
0x8f: {  	_ = 	snop  }
0x90: {  	s2 =	sld [smem:$0x3FD0];
	(tm) =	ssettm $0x1  }
0x91: {  	s18 =	sld [smem:$0x3FFB];
	_ =	sdelay $0x3  }
0x92: {  	_ =	strace s18  }
0x93: {  	s3 =	sld [smem:$0x3FFC];
	_ =	sdelay $0x3  }
0x94: {  	_ =	strace s3  }
0x95: {  	s3 =	sld [smem:$0x3FFD];
	_ =	sdelay $0x3  }
0x96: {  	_ =	strace s3  }
0x97: {  	_ =	strace $0x8FFFFFFF  }
0x98: {  	s19 =	sld [smem:$0x3FDB];
	_ =	sdelay $0x1  }
0x99: {  	s4 =	simm.s32 $_scs_section_size  }
0x9a: {  	s5 =	simm.s32 $_size__tile_overlayer_lowered;
	s6 =	simm.s32 $_tile_overlayer_lowered  }
0x9b: {  	s22 =	simm.s32 $0x1BFF;
	s21 =	sshll.u32 s6, $0x1;
	s3 =	sadd.s32 s4, s19  }
0x9c: {  	s7 =	simm.s32 $0x0;
	s20 =	sshll.u32 s5, $0x1;
	s5 =	sadd.s32 s21, s3  }
0x9d: {  	[timem:s7], [sflag:s22] =	dma.local [hbm:s5], s20  }
0x9e: {  	_ =	swait.ge [sflag:s22], s20  }
0x9f: {  	s4 =	ssub.s32 $0x0, s20;
	[sflag:s22] =	ssyncset.done $0x0  }
0xa0: {  	[sflag:s22] =	ssyncadd.s32 s4;
	_ =	sdelay $0x1  }
0xa1: {  	s23 =	simm.s32 $0x1B8B  }
0xa2: {  	_ =	swait.ge [sflag:s23], $0x1  }
0xa3: {  	[sflag:s23] =	ssyncset.done $0x0  }
0xa4: {  	s25 =	simm.s32 $0x1B8E;
	s24 =	sld [smem:$0x3FFE];
	[sflag:s23] =	ssyncadd.s32 $0xFFFFFFFF  }
0xa5: {  	s26 =	simm.s32 $execute0_lowered;
	[smem:$0x3FD2] =	sst s25  }
0xa6: {  	s5 =	sshll.u32 s26, $0x1;
	_ =	strace $0x80000046;
	[dreg:$0x1] =	wrdreg $0xFFFFFFFF  }
0xa7: {  	s28 =	simm.s32 $_size_execute0_lowered;
	s3 =	sadd.s32 s3, s5;
	[dreg:$0x0] =	wrdreg $0x0  }
0xa8: {  	s5 =	sshll.u32 s28, $0x1;
	[dreg:$0x2] =	wrdreg s3  }
0xa9: {  	[dreg:$0x3] =	wrdreg s5  }
0xaa: {  	[dreg:$0x4] =	wrdreg $0xC0  }
0xab: {  	_ =	task [dreg:s7], $0x5FFFF  }
0xac: {  	[dreg:$0x1] =	wrdreg $0xFFFFFFFF  }
0xad: {  	[dreg:$0x0] =	wrdreg $0x60  }
0xae: {  	[dreg:$0x2] =	wrdreg s2  }
0xaf: {  	[dreg:$0x3] =	wrdreg s24  }
0xb0: {  	[dreg:$0x4] =	wrdreg $0x9  }
0xb1: {  	_ =	task.clear_ibuf [dreg:s7], $0x5FFFF;
	_ =	strace $0x90000046  }
0xb2: {  	s29 =	simm.s32 $0x9;
	_ =	strace $0x80000048  }
0xb3: {  	_ =	swait.ge [sflag:s29], $0x1  }
0xb4: {  	[sflag:s29] =	ssyncadd.s32 $0xFFFFFFFF  }
0xb5: {  	_ =	strace $0x90000048  }
0xb6: {  	_ =	sfence  }
0xb7: {  	s30 =	sld [smem:$0x0];
	_ =	sdelay $0x2  }
0xb8: {  	s31 =	sshll.u32 s1, $0xD;
	s1 =	sshrl.u32 s1, $0x2  }
0xb9: {  	s3 =	sand.u32 $0x4000, s31;
	s1 =	sadd.s32 s1, s30  }
0xba: {  	s0 =	sor.u32 s3, s0;
	s1 =	sshll.u32 s1, $0x11  }
0xbb: {  	s0 =	sor.u32 s1, s0  }
0xbc: {  	s0 =	sadd.s32 $0x8F2B, s0  }
0xbd: {  	[sflag:s0] =	ssyncadd.remote.s32 $0x1  }
0xbe: {  	_ =	sfence.sel $0xFFFF  }
0xbf: {  	[dreg:$0x0] =	wrdreg $0xFFFFFFFF;
	(pc) =	sbr.abs _section_cstart, $3  }
0xc0: {  	[dreg:$0x1] =	wrdreg $0xFFFFFFFF  }
0xc1: {  	_ =	task.clear_ibuf [dreg:s7], $0x2FFFF;
	_ =	strace $0x9FFFFFFF  }
0xc2: {  	(tm) =	ssettm $0x7FFFFFFF  }
0xc3: {  	_ =	shalt  }
tec
execute0_lowered:
.L_overlay_start_1:
0x0: {  	(tag) =	ssettag $0x1  }
0x1: {  	s0 =	srdreg.scid  }
0x2: {  	s11 =	stileid.u32;
	s5 =	rddreg [dreg:$0x0]  }
0x3: {  	s6 =	rddreg [dreg:$0x1];
	s3 =	simm.s32 $0x0;
	s7 =	smul.u32 $0x3200, s11  }
0x4: {  	s15 =	simm.s32 $0x80;
	s18 =	simm.s32 $0x1;
	s9 =	smul.u32 $0x190000, s11  }
0x5: {  	s0 =	sand.u32 $0x1, s0;
	s1 =	sshll.u32 s11, $0x1;
	s11 =	smul.u32 $0x64, s11  }
0x6: {  	s20 =	simm.s32 $0x2;
	s21 =	simm.s32 $0xDC00;
	s8 =	smul.u32 $0x1900, s0  }
0x7: {  	[smem:$0x7FF] =	sst s3;
	s1 =	sor.u32 s0, s1;
	s13 =	smul.u32 $0x32, s0  }
0x8: {  	s12 =	sadd.s32 $0x400, s6;
	_ =	strace $0x80000047;
	s2 =	smul.u32 $0x32, s1  }
0x9: {  	s10 =	ssub.s32 $0x2, s0;
	[dreg:$0x3] =	wrdreg s12;
	s1 =	smul.u32 $0x380, s1  }
0xa: {  	s0 =	smul.u32 $0xC8000, s0;
	s26 =	sshrl.u32 s10, $0x1;
	s30 =	sadd.s32 s8, s7  }
0xb: {  	s10 =	ssub.s32 s10, s26;
	s1 =	sadd.s32 s5, s1;
	[dreg:$0x6] =	wrdreg s30  }
0xc: {  	s0 =	sadd.s32 s0, s9;
	s28 =	smax.u32 s10, $0x1;
	[dreg:$0x4] =	wrdreg s1  }
0xd: {  	s29 =	sadd.s32 s13, s11;
	s31 =	sor.u32 $0x180, s0;
	[dreg:$0x5] =	wrdreg s28  }
0xe: {  	s0 =	sor.u32 $0x4180, s0;
	s1 =	sshll.u32 s29, $0x7;
	[dreg:$0x7] =	wrdreg s31  }
0xf: {  	s4 =	sadd.s32 $0xF43600, s6;
	[dreg:$0x9] =	wrdreg s0;
	s1 =	sor.u32 $0x80, s1  }
0x10: {  	s6 =	sadd.s32 $0x1200, s6;
	s5 =	simm.s32 $0x0;
	[dreg:$0x8] =	wrdreg s1  }
.LBB2_1:
0x11: {  	[dreg:$0xa] =	wrdreg s5  }
0x12: {  	s0 =	rddreg [dreg:$0x3];
	s1 =	simm.s32 $0x11C00;
	s26 =	simm.s32 $0x5  }
0x13: {  	[tilespmem:s1], [sflag:$0x5] =	stream.linear.gather [hbm4b:s0+s3], $0x6400, $0x38;
	[tilespmem:$0x18000] =	vst v63  }
0x14: {  	_ =	swait.ge [sflag:s26], $0x6400  }
0x15: {  	[sflag:s26] =	ssyncset.done $0x0  }
0x16: {  	s28 =	rddreg [dreg:$0x4];
	[sflag:s26] =	ssyncadd.s32 $0xFFFF9C00  }
0x17: {  	[tilespmem:s3], [sflag:$0x5] =	stream.linear.gather [hbm4b:s28+s3], $0x1900, $0x38;
	[tilespmem:$0x18000] =	vst v63  }
0x18: {  	_ =	swait.ge [sflag:s26], $0x1900  }
0x19: {  	s25 =	rddreg [dreg:$0x9]  }
0x1a: {  	s12 =	rddreg [dreg:$0x7]  }
0x1b: {  	s31 =	simm.s32 $0x1C00;
	[sflag:s26] =	ssyncset.done $0x0;
	s29 =	rddreg [dreg:$0x6]  }
0x1c: {  	s30 =	simm.s32 $0x0;
	[sflag:s26] =	ssyncadd.s32 $0xFFFFE700;
	s26 =	rddreg [dreg:$0x8]  }
0x1d: {  	[tilespmem:s31], [sflag:$0x1] =	stream.indirect.gather [hbm4b:s4+s15], $0x80, s3, s15, $0xb8;
	[tilespmem:$0x18000] =	vst v63  }
.LBB2_2:
0x1e: {  	s0 =	smulhi.u32 $0x51EB851F, s29;
	_ =	sdelay $0x1  }
0x1f: {  	s5 =	sshrl.u32 s0, $0x6  }
0x20: {  	s0 =	sshllo.u32 s30, $0x1;
	s1 =	smul.u32 $0xC8, s5  }
0x21: {  	s7 =	sshll.u32 s0, $0x7  }
0x22: {  	s11 =	simm.s32 $0x5C00;
	s10 =	sand.u32 $0x3FFFFF80, s7;
	s13 =	ssub.s32 s29, s1  }
0x23: {  	[tilespmem:s11], [sflag:$0x2] =	stream.indirect.gather [hbm4b:s4+s15], $0x80, s10, s15, $0xb8;
	[tilespmem:$0x18000] =	vst v63  }
0x24: {  	s16 =	smul.u32 $0xFFFF9C00, s5;
	s14 =	sadd.s32 $0xFFFFFFFC, s13  }
0x25: {  	s5 =	simm.s32 $0x1D00;
	_ =	swait.ge [sflag:s18], $0x4000;
	s17 =	sadd.s32 $0x4, s14  }
0x26: {  	s7 =	simm.s32 $0xFFFF9A80;
	[sflag:s18] =	ssyncset.done $0x0;
	p0 =	sgt.u32 s17, $0xC7  }
0x27: {  	s8 =	sadd.s32 s12, s16;
	[sflag:s18] =	ssyncadd.s32 $0xFFFFC000;
	s7 =	simm.s32 @!p0 $0xFFFFFE80  }
0x28: {  	v0 =	vld [tilespmem:s5+$0xFFFFFF00];
	s9 =	sadd.s32 s7, s8  }
0x29: {  	v1 =	vld [tilespmem:s9+$0x11C00];
	_ =	sdelay $0x4  }
0x2a: {  	v0 =	vadd.f32 v1, v0  }
0x2b: {  	s7 =	simm.s32 $0x9D00  }
0x2c: {  	[tilespmem:s7+$0xFFFFFF00] =	vst v0  }
0x2d: {  	v0 =	vld [tilespmem:s5+$0xFFFFFF10]  }
0x2e: {  	v1 =	vld [tilespmem:s9+$0x11C10];
	_ =	sdelay $0x4  }
0x2f: {  	v0 =	vadd.f32 v1, v0;
	_ =	sdelay $0x1  }
0x30: {  	[tilespmem:s7+$0xFFFFFF10] =	vst v0  }
0x31: {  	v0 =	vld [tilespmem:s5+$0xFFFFFF20]  }
0x32: {  	v1 =	vld [tilespmem:s9+$0x11C20];
	_ =	sdelay $0x4  }
0x33: {  	v0 =	vadd.f32 v1, v0;
	_ =	sdelay $0x1  }
0x34: {  	[tilespmem:s7+$0xFFFFFF20] =	vst v0  }
0x35: {  	v0 =	vld [tilespmem:s5+$0xFFFFFF30]  }
0x36: {  	v1 =	vld [tilespmem:s9+$0x11C30];
	_ =	sdelay $0x4  }
0x37: {  	s19 =	sadd.s32 $0x5, s14;
	v0 =	vadd.f32 v1, v0  }
0x38: {  	p0 =	sgt.u32 s19, $0xC7;
	s9 =	simm.s32 $0xFFFF9B00  }
0x39: {  	s9 =	simm.s32 @!p0 $0xFFFFFF00;
	[tilespmem:s7+$0xFFFFFF30] =	vst v0  }
0x3a: {  	s9 =	sadd.s32 s9, s8;
	v0 =	vld [tilespmem:s5+$0xFFFFFF80]  }
0x3b: {  	v1 =	vld [tilespmem:s9+$0x11C00];
	_ =	sdelay $0x4  }
0x3c: {  	v0 =	vadd.f32 v1, v0;
	_ =	sdelay $0x1  }
0x3d: {  	[tilespmem:s7+$0xFFFFFF80] =	vst v0  }
0x3e: {  	v0 =	vld [tilespmem:s5+$0xFFFFFF90]  }
0x3f: {  	v1 =	vld [tilespmem:s9+$0x11C10];
	_ =	sdelay $0x4  }
0x40: {  	v0 =	vadd.f32 v1, v0;
	_ =	sdelay $0x1  }
0x41: {  	[tilespmem:s7+$0xFFFFFF90] =	vst v0  }
0x42: {  	v0 =	vld [tilespmem:s5+$0xFFFFFFA0]  }
0x43: {  	v1 =	vld [tilespmem:s9+$0x11C20];
	_ =	sdelay $0x4  }
0x44: {  	v0 =	vadd.f32 v1, v0;
	_ =	sdelay $0x1  }
0x45: {  	[tilespmem:s7+$0xFFFFFFA0] =	vst v0  }
0x46: {  	v0 =	vld [tilespmem:s5+$0xFFFFFFB0]  }
0x47: {  	v1 =	vld [tilespmem:s9+$0x11C30];
	_ =	sdelay $0x4  }
0x48: {  	s22 =	sadd.s32 $0x6, s14;
	v0 =	vadd.f32 v1, v0  }
0x49: {  	p0 =	sgt.u32 s22, $0xC7;
	s9 =	simm.s32 $0xFFFF9B80  }
0x4a: {  	s9 =	simm.s32 @!p0 $0xFFFFFF80;
	[tilespmem:s7+$0xFFFFFFB0] =	vst v0  }
0x4b: {  	s9 =	sadd.s32 s9, s8;
	v0 =	vld [tilespmem:s5+$0x0]  }
0x4c: {  	v1 =	vld [tilespmem:s9+$0x11C00];
	_ =	sdelay $0x4  }
0x4d: {  	v0 =	vadd.f32 v1, v0;
	_ =	sdelay $0x1  }
0x4e: {  	[tilespmem:s7+$0x0] =	vst v0  }
0x4f: {  	v0 =	vld [tilespmem:s5+$0x10]  }
0x50: {  	v1 =	vld [tilespmem:s9+$0x11C10];
	_ =	sdelay $0x4  }
0x51: {  	v0 =	vadd.f32 v1, v0;
	_ =	sdelay $0x1  }
0x52: {  	[tilespmem:s7+$0x10] =	vst v0  }
0x53: {  	v0 =	vld [tilespmem:s5+$0x20]  }
0x54: {  	v1 =	vld [tilespmem:s9+$0x11C20];
	_ =	sdelay $0x4  }
0x55: {  	v0 =	vadd.f32 v1, v0;
	_ =	sdelay $0x1  }
0x56: {  	[tilespmem:s7+$0x20] =	vst v0  }
0x57: {  	v0 =	vld [tilespmem:s5+$0x30]  }
0x58: {  	v1 =	vld [tilespmem:s9+$0x11C30];
	_ =	sdelay $0x4  }
0x59: {  	v0 =	vadd.f32 v1, v0  }
0x5a: {  	s1 =	sadd.s32 $0x7, s14  }
0x5b: {  	p0 =	sgt.u32 s1, $0xC7;
	s9 =	sadd.s32 $0xFFFF9C00, s8;
	[tilespmem:s7+$0x30] =	vst v0  }
0x5c: {  	s8 =	smov.u32 @p0 s9;
	v0 =	vld [tilespmem:s5+$0x80]  }
0x5d: {  	v1 =	vld [tilespmem:s8+$0x11C00];
	_ =	sdelay $0x4  }
0x5e: {  	v0 =	vadd.f32 v1, v0;
	_ =	sdelay $0x1  }
0x5f: {  	[tilespmem:s7+$0x80] =	vst v0  }
0x60: {  	v0 =	vld [tilespmem:s5+$0x90]  }
0x61: {  	v1 =	vld [tilespmem:s8+$0x11C10];
	_ =	sdelay $0x3  }
0x62: {  	s23 =	smulhi.u32 $0x51EB851F, s26  }
0x63: {  	v0 =	vadd.f32 v1, v0  }
0x64: {  	s1 =	sshrl.u32 s23, $0x6  }
0x65: {  	s28 =	smov.u32 s12;
	s10 =	sshll.u32 s30, $0x1;
	s24 =	smul.u32 $0xC8, s1;
	[tilespmem:s7+$0x90] =	vst v0  }
0x66: {  	s11 =	simm.s32 $0x1F00;
	s22 =	simm.s32 $0x9D00;
	s1 =	smul.u32 $0xFFFF9C00, s1;
	v0 =	vld [tilespmem:s5+$0xA0]  }
0x67: {  	s31 =	ssub.s32 s29, s24;
	s9 =	sadd.s32 s2, s10;
	s10 =	simm.s32 $0x0;
	v1 =	vld [tilespmem:s8+$0x11C20]  }
.LBB2_3:
0x68: {  	s28 =	sadd.s32 $0x200, s28  }
0x69: {  	s7 =	sadd.s32 $0x200, s7;
	s14 =	smov.u32 s10;
	s10 =	sadd.s32 $0x4, s10  }
0x6a: {  	p0 =	slt.u32 s10, $0x7C;
	_ =	sdelay $0x2  }
0x6b: {  	v0 =	vadd.f32 v1, v0;
	_ =	sdelay $0x1  }
0x6c: {  	[tilespmem:s22+$0xA0] =	vst v0  }
0x6d: {  	v0 =	vld [tilespmem:s5+$0xB0];
	s5 =	smov.u32 s11  }
0x6e: {  	v1 =	vld [tilespmem:s8+$0x11C30];
	_ =	sdelay $0x2  }
0x6f: {  	s14 =	sadd.s32 s14, s13  }
0x70: {  	s24 =	simm.s32 $0xFFFF9B80;
	s17 =	sadd.s32 $0x5, s14;
	s23 =	sadd.s32 $0x6, s14  }
0x71: {  	p2 =	sgt.u32 s17, $0xC7;
	p3 =	sgt.u32 s23, $0xC7;
	s8 =	sadd.s32 $0x4, s14;
	v0 =	vadd.f32 v1, v0  }
0x72: {  	s23 =	simm.s32 $0xFFFF9A80;
	s17 =	simm.s32 $0xFFFF9B00;
	p1 =	sgt.u32 s8, $0xC7  }
0x73: {  	s17 =	simm.s32 @!p2 $0xFFFFFF00;
	s8 =	sadd.s32 s28, s16;
	s23 =	simm.s32 @!p1 $0xFFFFFE80;
	[tilespmem:s22+$0xB0] =	vst v0  }
0x74: {  	s24 =	simm.s32 @!p3 $0xFFFFFF80;
	s19 =	sadd.s32 s23, s8;
	s23 =	sadd.s32 $0xFFFF9C00, s8;
	v0 =	vld [tilespmem:s11+$0xFFFFFF00]  }
0x75: {  	s14 =	sadd.s32 $0x7, s14;
	s22 =	smov.u32 s7;
	v1 =	vld [tilespmem:s19+$0x11C00];
	_ =	sdelay $0x4  }
0x76: {  	v0 =	vadd.f32 v1, v0;
	_ =	sdelay $0x1  }
0x77: {  	[tilespmem:s7+$0xFFFFFF00] =	vst v0  }
0x78: {  	v0 =	vld [tilespmem:s11+$0xFFFFFF10]  }
0x79: {  	v1 =	vld [tilespmem:s19+$0x11C10];
	_ =	sdelay $0x4  }
0x7a: {  	v0 =	vadd.f32 v1, v0;
	_ =	sdelay $0x1  }
0x7b: {  	[tilespmem:s7+$0xFFFFFF10] =	vst v0  }
0x7c: {  	v0 =	vld [tilespmem:s11+$0xFFFFFF20]  }
0x7d: {  	v1 =	vld [tilespmem:s19+$0x11C20];
	_ =	sdelay $0x4  }
0x7e: {  	v0 =	vadd.f32 v1, v0;
	_ =	sdelay $0x1  }
0x7f: {  	[tilespmem:s7+$0xFFFFFF20] =	vst v0  }
0x80: {  	v0 =	vld [tilespmem:s11+$0xFFFFFF30]  }
0x81: {  	v1 =	vld [tilespmem:s19+$0x11C30];
	_ =	sdelay $0x4  }
0x82: {  	v0 =	vadd.f32 v1, v0;
	_ =	sdelay $0x1  }
0x83: {  	[tilespmem:s7+$0xFFFFFF30] =	vst v0  }
0x84: {  	s17 =	sadd.s32 s17, s8;
	v0 =	vld [tilespmem:s11+$0xFFFFFF80]  }
0x85: {  	v1 =	vld [tilespmem:s17+$0x11C00];
	_ =	sdelay $0x4  }
0x86: {  	v0 =	vadd.f32 v1, v0;
	_ =	sdelay $0x1  }
0x87: {  	[tilespmem:s7+$0xFFFFFF80] =	vst v0  }
0x88: {  	v0 =	vld [tilespmem:s11+$0xFFFFFF90]  }
0x89: {  	v1 =	vld [tilespmem:s17+$0x11C10];
	_ =	sdelay $0x4  }
0x8a: {  	v0 =	vadd.f32 v1, v0;
	_ =	sdelay $0x1  }
0x8b: {  	[tilespmem:s7+$0xFFFFFF90] =	vst v0  }
0x8c: {  	v0 =	vld [tilespmem:s11+$0xFFFFFFA0]  }
0x8d: {  	v1 =	vld [tilespmem:s17+$0x11C20];
	_ =	sdelay $0x4  }
0x8e: {  	v0 =	vadd.f32 v1, v0;
	_ =	sdelay $0x1  }
0x8f: {  	[tilespmem:s7+$0xFFFFFFA0] =	vst v0  }
0x90: {  	v0 =	vld [tilespmem:s11+$0xFFFFFFB0]  }
0x91: {  	v1 =	vld [tilespmem:s17+$0x11C30];
	_ =	sdelay $0x4  }
0x92: {  	v0 =	vadd.f32 v1, v0;
	_ =	sdelay $0x1  }
0x93: {  	[tilespmem:s7+$0xFFFFFFB0] =	vst v0  }
0x94: {  	s17 =	sadd.s32 s24, s8;
	v0 =	vld [tilespmem:s11+$0x0]  }
0x95: {  	v1 =	vld [tilespmem:s17+$0x11C00];
	_ =	sdelay $0x4  }
0x96: {  	v0 =	vadd.f32 v1, v0;
	_ =	sdelay $0x1  }
0x97: {  	[tilespmem:s7+$0x0] =	vst v0  }
0x98: {  	v0 =	vld [tilespmem:s11+$0x10]  }
0x99: {  	v1 =	vld [tilespmem:s17+$0x11C10];
	_ =	sdelay $0x4  }
0x9a: {  	v0 =	vadd.f32 v1, v0;
	_ =	sdelay $0x1  }
0x9b: {  	[tilespmem:s7+$0x10] =	vst v0  }
0x9c: {  	v0 =	vld [tilespmem:s11+$0x20]  }
0x9d: {  	v1 =	vld [tilespmem:s17+$0x11C20];
	_ =	sdelay $0x4  }
0x9e: {  	v0 =	vadd.f32 v1, v0;
	_ =	sdelay $0x1  }
0x9f: {  	[tilespmem:s7+$0x20] =	vst v0  }
0xa0: {  	v0 =	vld [tilespmem:s11+$0x30]  }
0xa1: {  	v1 =	vld [tilespmem:s17+$0x11C30];
	_ =	sdelay $0x4  }
0xa2: {  	v0 =	vadd.f32 v1, v0;
	_ =	sdelay $0x1  }
0xa3: {  	p1 =	sgt.u32 s14, $0xC7;
	[tilespmem:s7+$0x30] =	vst v0  }
0xa4: {  	s8 =	smov.u32 @p1 s23;
	v0 =	vld [tilespmem:s11+$0x80]  }
0xa5: {  	v1 =	vld [tilespmem:s8+$0x11C00];
	_ =	sdelay $0x4  }
0xa6: {  	v0 =	vadd.f32 v1, v0;
	_ =	sdelay $0x1  }
0xa7: {  	[tilespmem:s7+$0x80] =	vst v0  }
0xa8: {  	v0 =	vld [tilespmem:s11+$0x90]  }
0xa9: {  	v1 =	vld [tilespmem:s8+$0x11C10];
	_ =	sdelay $0x4  }
.Ltmp0:
0xaa: {  	v0 =	vadd.f32 v1, v0;
	(pc) =	sbr.rel @p0 .LBB2_3-.Ltmp0, $4  }
0xab: {  	_ = 	snop  }
0xac: {  	[tilespmem:s7+$0x90] =	vst v0  }
0xad: {  	v0 =	vld [tilespmem:s11+$0xA0]  }
0xae: {  	s11 =	sadd.s32 $0x200, s11;
	v1 =	vld [tilespmem:s8+$0x11C20]  }
0xaf: {  	_ =	sdelay $0x3  }
0xb0: {  	v0 =	vadd.f32 v1, v0;
	_ =	sdelay $0x1  }
0xb1: {  	[tilespmem:s22+$0xA0] =	vst v0  }
0xb2: {  	v0 =	vld [tilespmem:s5+$0xB0]  }
0xb3: {  	v1 =	vld [tilespmem:s8+$0x11C30];
	_ =	sdelay $0x4  }
0xb4: {  	v0 =	vadd.f32 v1, v0  }
0xb5: {  	p0 =	seq.s32 s30, $0x0  }
0xb6: {  	s5 =	simm.s32 @!p0 $0x3;
	[tilespmem:s22+$0xB0] =	vst v0  }
0xb7: {  	s7 =	sshll.u32 s9, $0xB;
	_ =	swait.ge @!p0 [sflag:s5], $0x4000  }
0xb8: {  	s19 =	simm.s32 $0x9C00;
	p1 =	seq.s32 s30, $0x18;
	[sflag:s5] =	ssyncset.done @!p0 $0x0  }
0xb9: {  	s17 =	sadd.s32 s6, s7;
	[sflag:s5] =	ssyncadd.s32 @!p0 $0xFFFFC000;
	s5 =	sshll.u32 @!p1 s30, $0x8  }
0xba: {  	[hbm4b:s17+s3] =	stream.linear.scatter [tilespmem:s19], [sflag:$0x3], $0x4000, $0x38;
	[tilespmem:$0x18000] =	vst v63  }
0xbb: {  	s7 =	simm.s32 @!p1 $0x80;
	s22 =	sadd.s32 $0xFFFFFFFC, s31;
	s5 =	sand.u32 @!p1 $0x3FFFFF00, s5  }
0xbc: {  	s8 =	simm.s32 @!p1 $0x1C00;
	s23 =	sadd.s32 $0x84, s22;
	s5 =	sadd.s32 @!p1 $0x100, s5  }
0xbd: {  	[tilespmem:s8], [sflag:$0x1] =	stream.indirect.gather @!p1 [hbm4b:s4+s7], $0x80, s5, s7, $0xb8;
	[tilespmem:$0x18000] =	vst v63  }
0xbe: {  	p1 =	sgt.u32 s23, $0xC7;
	_ =	swait.ge [sflag:s20], $0x4000  }
0xbf: {  	s7 =	simm.s32 $0xFFFF9A80;
	s5 =	simm.s32 $0x5D00;
	[sflag:s20] =	ssyncset.done $0x0  }
0xc0: {  	s8 =	sadd.s32 s25, s1;
	s7 =	simm.s32 @!p1 $0xFFFFFE80;
	[sflag:s20] =	ssyncadd.s32 $0xFFFFC000  }
0xc1: {  	s10 =	sadd.s32 s7, s8;
	v0 =	vld [tilespmem:s5+$0xFFFFFF00]  }
0xc2: {  	v1 =	vld [tilespmem:s10+$0x11C00];
	_ =	sdelay $0x4  }
0xc3: {  	v0 =	vadd.f32 v1, v0  }
0xc4: {  	s7 =	simm.s32 $0xDD00  }
0xc5: {  	[tilespmem:s7+$0xFFFFFF00] =	vst v0  }
0xc6: {  	v0 =	vld [tilespmem:s5+$0xFFFFFF10]  }
0xc7: {  	v1 =	vld [tilespmem:s10+$0x11C10];
	_ =	sdelay $0x4  }
0xc8: {  	v0 =	vadd.f32 v1, v0;
	_ =	sdelay $0x1  }
0xc9: {  	[tilespmem:s7+$0xFFFFFF10] =	vst v0  }
0xca: {  	v0 =	vld [tilespmem:s5+$0xFFFFFF20]  }
0xcb: {  	v1 =	vld [tilespmem:s10+$0x11C20];
	_ =	sdelay $0x4  }
0xcc: {  	v0 =	vadd.f32 v1, v0;
	_ =	sdelay $0x1  }
0xcd: {  	[tilespmem:s7+$0xFFFFFF20] =	vst v0  }
0xce: {  	v0 =	vld [tilespmem:s5+$0xFFFFFF30]  }
0xcf: {  	v1 =	vld [tilespmem:s10+$0x11C30];
	_ =	sdelay $0x4  }
0xd0: {  	s24 =	sadd.s32 $0x85, s22;
	v0 =	vadd.f32 v1, v0  }
0xd1: {  	p1 =	sgt.u32 s24, $0xC7;
	s10 =	simm.s32 $0xFFFF9B00  }
0xd2: {  	s10 =	simm.s32 @!p1 $0xFFFFFF00;
	[tilespmem:s7+$0xFFFFFF30] =	vst v0  }
0xd3: {  	s10 =	sadd.s32 s10, s8;
	v0 =	vld [tilespmem:s5+$0xFFFFFF80]  }
0xd4: {  	v1 =	vld [tilespmem:s10+$0x11C00];
	_ =	sdelay $0x4  }
0xd5: {  	v0 =	vadd.f32 v1, v0;
	_ =	sdelay $0x1  }
0xd6: {  	[tilespmem:s7+$0xFFFFFF80] =	vst v0  }
0xd7: {  	v0 =	vld [tilespmem:s5+$0xFFFFFF90]  }
0xd8: {  	v1 =	vld [tilespmem:s10+$0x11C10];
	_ =	sdelay $0x4  }
0xd9: {  	v0 =	vadd.f32 v1, v0;
	_ =	sdelay $0x1  }
0xda: {  	[tilespmem:s7+$0xFFFFFF90] =	vst v0  }
0xdb: {  	v0 =	vld [tilespmem:s5+$0xFFFFFFA0]  }
0xdc: {  	v1 =	vld [tilespmem:s10+$0x11C20];
	_ =	sdelay $0x4  }
0xdd: {  	v0 =	vadd.f32 v1, v0;
	_ =	sdelay $0x1  }
0xde: {  	[tilespmem:s7+$0xFFFFFFA0] =	vst v0  }
0xdf: {  	v0 =	vld [tilespmem:s5+$0xFFFFFFB0]  }
0xe0: {  	v1 =	vld [tilespmem:s10+$0x11C30];
	_ =	sdelay $0x4  }
0xe1: {  	s28 =	sadd.s32 $0x86, s22;
	v0 =	vadd.f32 v1, v0  }
0xe2: {  	p1 =	sgt.u32 s28, $0xC7;
	s10 =	simm.s32 $0xFFFF9B80  }
0xe3: {  	s10 =	simm.s32 @!p1 $0xFFFFFF80;
	[tilespmem:s7+$0xFFFFFFB0] =	vst v0  }
0xe4: {  	s10 =	sadd.s32 s10, s8;
	v0 =	vld [tilespmem:s5+$0x0]  }
0xe5: {  	v1 =	vld [tilespmem:s10+$0x11C00];
	_ =	sdelay $0x4  }
0xe6: {  	v0 =	vadd.f32 v1, v0;
	_ =	sdelay $0x1  }
0xe7: {  	[tilespmem:s7+$0x0] =	vst v0  }
0xe8: {  	v0 =	vld [tilespmem:s5+$0x10]  }
0xe9: {  	v1 =	vld [tilespmem:s10+$0x11C10];
	_ =	sdelay $0x4  }
0xea: {  	v0 =	vadd.f32 v1, v0;
	_ =	sdelay $0x1  }
0xeb: {  	[tilespmem:s7+$0x10] =	vst v0  }
0xec: {  	v0 =	vld [tilespmem:s5+$0x20]  }
0xed: {  	v1 =	vld [tilespmem:s10+$0x11C20];
	_ =	sdelay $0x4  }
0xee: {  	v0 =	vadd.f32 v1, v0;
	_ =	sdelay $0x1  }
0xef: {  	[tilespmem:s7+$0x20] =	vst v0  }
0xf0: {  	v0 =	vld [tilespmem:s5+$0x30]  }
0xf1: {  	v1 =	vld [tilespmem:s10+$0x11C30];
	_ =	sdelay $0x4  }
0xf2: {  	v0 =	vadd.f32 v1, v0  }
0xf3: {  	s9 =	sadd.s32 $0x87, s22  }
0xf4: {  	p1 =	sgt.u32 s9, $0xC7;
	s10 =	sadd.s32 $0xFFFF9C00, s8;
	[tilespmem:s7+$0x30] =	vst v0  }
0xf5: {  	s8 =	smov.u32 @p1 s10;
	v0 =	vld [tilespmem:s5+$0x80]  }
0xf6: {  	v1 =	vld [tilespmem:s8+$0x11C00];
	_ =	sdelay $0x4  }
0xf7: {  	v0 =	vadd.f32 v1, v0;
	_ =	sdelay $0x1  }
0xf8: {  	[tilespmem:s7+$0x80] =	vst v0  }
0xf9: {  	v0 =	vld [tilespmem:s5+$0x90]  }
0xfa: {  	v1 =	vld [tilespmem:s8+$0x11C10];
	_ =	sdelay $0x4  }
0xfb: {  	v0 =	vadd.f32 v1, v0;
	_ =	sdelay $0x1  }
0xfc: {  	[tilespmem:s7+$0x90] =	vst v0  }
0xfd: {  	s0 =	sadd.s32 s2, s0;
	s11 =	smov.u32 s25;
	v0 =	vld [tilespmem:s5+$0xA0]  }
0xfe: {  	s13 =	simm.s32 $0xDD00;
	s9 =	simm.s32 $0x0;
	s10 =	simm.s32 $0x5F00;
	v1 =	vld [tilespmem:s8+$0x11C20]  }
.LBB2_5:
0xff: {  	s11 =	sadd.s32 $0x200, s11  }
0x100: {  	s7 =	sadd.s32 $0x200, s7;
	s14 =	smov.u32 s9;
	s9 =	sadd.s32 $0x4, s9  }
0x101: {  	p1 =	slt.u32 s9, $0x7C;
	_ =	sdelay $0x2  }
0x102: {  	v0 =	vadd.f32 v1, v0;
	_ =	sdelay $0x1  }
0x103: {  	[tilespmem:s13+$0xA0] =	vst v0  }
0x104: {  	v0 =	vld [tilespmem:s5+$0xB0];
	s5 =	smov.u32 s10  }
0x105: {  	v1 =	vld [tilespmem:s8+$0x11C30];
	_ =	sdelay $0x2  }
0x106: {  	s14 =	sadd.s32 s14, s31  }
0x107: {  	s22 =	simm.s32 $0xFFFF9B80;
	s16 =	sadd.s32 $0x85, s14;
	s17 =	sadd.s32 $0x86, s14  }
0x108: {  	p3 =	sgt.u32 s16, $0xC7;
	p4 =	sgt.u32 s17, $0xC7;
	s8 =	sadd.s32 $0x84, s14;
	v0 =	vadd.f32 v1, v0  }
0x109: {  	s16 =	simm.s32 $0xFFFF9A80;
	s17 =	simm.s32 $0xFFFF9B00;
	p2 =	sgt.u32 s8, $0xC7  }
0x10a: {  	s17 =	simm.s32 @!p3 $0xFFFFFF00;
	s8 =	sadd.s32 s11, s1;
	s16 =	simm.s32 @!p2 $0xFFFFFE80;
	[tilespmem:s13+$0xB0] =	vst v0  }
0x10b: {  	s22 =	simm.s32 @!p4 $0xFFFFFF80;
	s19 =	sadd.s32 s16, s8;
	s16 =	sadd.s32 $0xFFFF9C00, s8;
	v0 =	vld [tilespmem:s10+$0xFFFFFF00]  }
0x10c: {  	s14 =	sadd.s32 $0x87, s14;
	s13 =	smov.u32 s7;
	v1 =	vld [tilespmem:s19+$0x11C00];
	_ =	sdelay $0x4  }
0x10d: {  	v0 =	vadd.f32 v1, v0;
	_ =	sdelay $0x1  }
0x10e: {  	[tilespmem:s7+$0xFFFFFF00] =	vst v0  }
0x10f: {  	v0 =	vld [tilespmem:s10+$0xFFFFFF10]  }
0x110: {  	v1 =	vld [tilespmem:s19+$0x11C10];
	_ =	sdelay $0x4  }
0x111: {  	v0 =	vadd.f32 v1, v0;
	_ =	sdelay $0x1  }
0x112: {  	[tilespmem:s7+$0xFFFFFF10] =	vst v0  }
0x113: {  	v0 =	vld [tilespmem:s10+$0xFFFFFF20]  }
0x114: {  	v1 =	vld [tilespmem:s19+$0x11C20];
	_ =	sdelay $0x4  }
0x115: {  	v0 =	vadd.f32 v1, v0;
	_ =	sdelay $0x1  }
0x116: {  	[tilespmem:s7+$0xFFFFFF20] =	vst v0  }
0x117: {  	v0 =	vld [tilespmem:s10+$0xFFFFFF30]  }
0x118: {  	v1 =	vld [tilespmem:s19+$0x11C30];
	_ =	sdelay $0x4  }
0x119: {  	v0 =	vadd.f32 v1, v0;
	_ =	sdelay $0x1  }
0x11a: {  	[tilespmem:s7+$0xFFFFFF30] =	vst v0  }
0x11b: {  	s17 =	sadd.s32 s17, s8;
	v0 =	vld [tilespmem:s10+$0xFFFFFF80]  }
0x11c: {  	v1 =	vld [tilespmem:s17+$0x11C00];
	_ =	sdelay $0x4  }
0x11d: {  	v0 =	vadd.f32 v1, v0;
	_ =	sdelay $0x1  }
0x11e: {  	[tilespmem:s7+$0xFFFFFF80] =	vst v0  }
0x11f: {  	v0 =	vld [tilespmem:s10+$0xFFFFFF90]  }
0x120: {  	v1 =	vld [tilespmem:s17+$0x11C10];
	_ =	sdelay $0x4  }
0x121: {  	v0 =	vadd.f32 v1, v0;
	_ =	sdelay $0x1  }
0x122: {  	[tilespmem:s7+$0xFFFFFF90] =	vst v0  }
0x123: {  	v0 =	vld [tilespmem:s10+$0xFFFFFFA0]  }
0x124: {  	v1 =	vld [tilespmem:s17+$0x11C20];
	_ =	sdelay $0x4  }
0x125: {  	v0 =	vadd.f32 v1, v0;
	_ =	sdelay $0x1  }
0x126: {  	[tilespmem:s7+$0xFFFFFFA0] =	vst v0  }
0x127: {  	v0 =	vld [tilespmem:s10+$0xFFFFFFB0]  }
0x128: {  	v1 =	vld [tilespmem:s17+$0x11C30];
	_ =	sdelay $0x4  }
0x129: {  	v0 =	vadd.f32 v1, v0;
	_ =	sdelay $0x1  }
0x12a: {  	[tilespmem:s7+$0xFFFFFFB0] =	vst v0  }
0x12b: {  	s17 =	sadd.s32 s22, s8;
	v0 =	vld [tilespmem:s10+$0x0]  }
0x12c: {  	v1 =	vld [tilespmem:s17+$0x11C00];
	_ =	sdelay $0x4  }
0x12d: {  	v0 =	vadd.f32 v1, v0;
	_ =	sdelay $0x1  }
0x12e: {  	[tilespmem:s7+$0x0] =	vst v0  }
0x12f: {  	v0 =	vld [tilespmem:s10+$0x10]  }
0x130: {  	v1 =	vld [tilespmem:s17+$0x11C10];
	_ =	sdelay $0x4  }
0x131: {  	v0 =	vadd.f32 v1, v0;
	_ =	sdelay $0x1  }
0x132: {  	[tilespmem:s7+$0x10] =	vst v0  }
0x133: {  	v0 =	vld [tilespmem:s10+$0x20]  }
0x134: {  	v1 =	vld [tilespmem:s17+$0x11C20];
	_ =	sdelay $0x4  }
0x135: {  	v0 =	vadd.f32 v1, v0;
	_ =	sdelay $0x1  }
0x136: {  	[tilespmem:s7+$0x20] =	vst v0  }
0x137: {  	v0 =	vld [tilespmem:s10+$0x30]  }
0x138: {  	v1 =	vld [tilespmem:s17+$0x11C30];
	_ =	sdelay $0x4  }
0x139: {  	v0 =	vadd.f32 v1, v0;
	_ =	sdelay $0x1  }
0x13a: {  	p2 =	sgt.u32 s14, $0xC7;
	[tilespmem:s7+$0x30] =	vst v0  }
0x13b: {  	s8 =	smov.u32 @p2 s16;
	v0 =	vld [tilespmem:s10+$0x80]  }
0x13c: {  	v1 =	vld [tilespmem:s8+$0x11C00];
	_ =	sdelay $0x4  }
0x13d: {  	v0 =	vadd.f32 v1, v0;
	_ =	sdelay $0x1  }
0x13e: {  	[tilespmem:s7+$0x80] =	vst v0  }
0x13f: {  	v0 =	vld [tilespmem:s10+$0x90]  }
0x140: {  	v1 =	vld [tilespmem:s8+$0x11C10];
	_ =	sdelay $0x4  }
.Ltmp1:
0x141: {  	v0 =	vadd.f32 v1, v0;
	(pc) =	sbr.rel @p1 .LBB2_5-.Ltmp1, $4  }
0x142: {  	_ = 	snop  }
0x143: {  	[tilespmem:s7+$0x90] =	vst v0  }
0x144: {  	v0 =	vld [tilespmem:s10+$0xA0]  }
0x145: {  	s10 =	sadd.s32 $0x200, s10;
	v1 =	vld [tilespmem:s8+$0x11C20]  }
0x146: {  	_ =	sdelay $0x3  }
0x147: {  	v0 =	vadd.f32 v1, v0;
	_ =	sdelay $0x1  }
0x148: {  	[tilespmem:s13+$0xA0] =	vst v0  }
0x149: {  	v0 =	vld [tilespmem:s5+$0xB0]  }
0x14a: {  	v63 =	vld [tilespmem:s8+$0x11C30];
	_ =	sdelay $0x4  }
0x14b: {  	v0 =	vadd.f32 v63, v0;
	_ =	sdelay $0x1  }
0x14c: {  	s1 =	simm.s32 @!p0 $0x4;
	[tilespmem:s13+$0xB0] =	vst v0  }
0x14d: {  	_ =	swait.ge @!p0 [sflag:s1], $0x4000  }
0x14e: {  	s30 =	sadd.s32 $0x1, s30;
	[sflag:s1] =	ssyncset.done @!p0 $0x0  }
0x14f: {  	[sflag:s1] =	ssyncadd.s32 @!p0 $0xFFFFC000;
	p0 =	sne.s32 s30, $0x19  }
.Ltmp2:
0x150: {  	_ = 	snop;
	(pc) =	sbr.rel @p0 .LBB2_2-.Ltmp2, $4  }
0x151: {  	s0 =	sshll.u32 s0, $0xB  }
0x152: {  	s29 =	sadd.s32 $0x100, s29;
	s12 =	sadd.s32 $0x8000, s12;
	s0 =	sand.u32 $0x1FFFF800, s0  }
0x153: {  	s26 =	sadd.s32 $0x100, s26;
	s25 =	sadd.s32 $0x8000, s25;
	s0 =	sadd.s32 s6, s0  }
0x154: {  	[hbm4b:s0+s3] =	stream.linear.scatter [tilespmem:s21], [sflag:$0x4], $0x4000, $0x38;
	[tilespmem:$0x18000] =	vst v63  }
0x155: {  	s0 =	simm.s32 $0x3  }
0x156: {  	_ =	swait.ge [sflag:s0], $0x4000  }
0x157: {  	[sflag:s0] =	ssyncset.done $0x0  }
0x158: {  	s1 =	simm.s32 $0x4;
	[sflag:s0] =	ssyncadd.s32 $0xFFFFC000  }
0x159: {  	_ =	swait.ge [sflag:s1], $0x4000  }
0x15a: {  	s5 =	rddreg [dreg:$0xa]  }
0x15b: {  	s31 =	rddreg [dreg:$0x5];
	s5 =	sadd.s32 $0x1, s5  }
0x15c: {  	p0 =	sne.s32 s5, s31  }
.Ltmp3:
0x15d: {  	_ = 	snop;
	(pc) =	sbr.rel @p0 .LBB2_1-.Ltmp3, $3  }
0x15e: {  	_ =	sdelay $0x1  }
0x15f: {  	[sflag:s1] =	ssyncset.done $0x0  }
0x160: {  	[sflag:s1] =	ssyncadd.s32 $0xFFFFC000  }
0x161: {  	_ =	sfence.sel $0x180000  }
0x162: {  	[bflag:$0x0] =	sbarrier.arrive $0xFFFF  }
0x163: {  	_ =	strace $0x90000047  }
0x164: {  	s0 =	stileid.u32;
	[bflag:$0x2] =	sbarrier.arrive $0xFFFF  }
0x165: {  	p0 =	sne.s32 s0, $0x0;
	s0 =	rddreg [dreg:$0x2]  }
0x166: {  	s0 =	sadd.s32 @!p0 $0x100000, s0  }
0x167: {  	[sflag:s0] =	ssyncadd.tile.s32 @!p0 $0x1;
	_ =	shalt  }
.Lfunc_end2:
_tile_overlayer_lowered:
.L_overlay_start_2:
0x168: {  	(tag) =	ssettag $0x2  }
0x169: {  	s0 =	rddreg [dreg:$0x0];
	s2 =	stileid.u32  }
0x16a: {  	s1 =	rddreg [dreg:$0x1];
	p0 =	sne.s32 s2, $0x0  }
0x16b: {  	s3 =	rddreg [dreg:$0x2];
	[bflag:$0x3] =	sbarrier.arrive $0xFFFF;
	s2 =	simm.s32 @!p0 $0x1C05  }
0x16c: {  	[timem:s3], [sflag:s2] =	dma.local @!p0 [hbm:s0], s1  }
0x16d: {  	s0 =	simm.s32 @!p0 $0x5  }
0x16e: {  	_ =	swait.ge @!p0 [sflag:s0], s1  }
0x16f: {  	s1 =	ssub.s32 @!p0 $0x0, s1;
	[sflag:s0] =	ssyncset.done @!p0 $0x0  }
0x170: {  	[sflag:s0] =	ssyncadd.s32 @!p0 s1  }
0x171: {  	[bflag:$0x3] =	sbarrier.arrive $0xFFFF  }
0x172: {  	_ =	shalt  }

// kernel: sparse-core-data-format-call.cloned.1.call-start
scs
called_computation_lowered:
.L_overlay_start_0:
0x0: {  	s2 =	sld [smem:$0x3FD9]  }
0x1: {  	s3 =	sld [smem:$0x3FFE];
	_ =	sdelay $0x1  }
0x2: {  	s1 =	srdreg.scid  }
0x3: {  	s0 =	sand.u32 $0x1, s1  }
0x4: {  	s18 =	sshll.u32 s0, $0xA;
	s2 =	sadd.s32 s3, s2  }
0x5: {  	s2 =	sadd.s32 s2, s18  }
0x6: {  	[smem:$0x3FC6] =	sst s2  }
0x7: {  	_ = 	snop  }
0x8: {  	s2 =	sld [smem:$0x3FD0];
	(tm) =	ssettm $0x1  }
0x9: {  	s19 =	sld [smem:$0x3FFB];
	_ =	sdelay $0x3  }
0xa: {  	_ =	strace s19  }
0xb: {  	s3 =	sld [smem:$0x3FFC];
	_ =	sdelay $0x3  }
0xc: {  	_ =	strace s3  }
0xd: {  	s3 =	sld [smem:$0x3FFD];
	_ =	sdelay $0x3  }
0xe: {  	_ =	strace s3  }
0xf: {  	_ =	strace $0x8FFFFFFF  }
0x10: {  	s20 =	sld [smem:$0x3FDB];
	_ =	sdelay $0x1  }
0x11: {  	s4 =	simm.s32 $_scs_section_size  }
0x12: {  	s5 =	simm.s32 $_size__tile_overlayer_lowered;
	s6 =	simm.s32 $_tile_overlayer_lowered  }
0x13: {  	s23 =	simm.s32 $0x1BFF;
	s22 =	sshll.u32 s6, $0x1;
	s3 =	sadd.s32 s4, s20  }
0x14: {  	s7 =	simm.s32 $0x0;
	s21 =	sshll.u32 s5, $0x1;
	s5 =	sadd.s32 s22, s3  }
0x15: {  	[timem:s7], [sflag:s23] =	dma.local [hbm:s5], s21  }
0x16: {  	_ =	swait.ge [sflag:s23], s21  }
0x17: {  	s4 =	ssub.s32 $0x0, s21;
	[sflag:s23] =	ssyncset.done $0x0  }
0x18: {  	[sflag:s23] =	ssyncadd.s32 s4;
	_ =	sdelay $0x1  }
0x19: {  	s24 =	simm.s32 $0x1B8B  }
0x1a: {  	_ =	swait.ge [sflag:s24], $0x1  }
0x1b: {  	[sflag:s24] =	ssyncset.done $0x0  }
0x1c: {  	s26 =	simm.s32 $0x1B8E;
	s25 =	sld [smem:$0x3FFE];
	[sflag:s24] =	ssyncadd.s32 $0xFFFFFFFF  }
0x1d: {  	s27 =	simm.s32 $execute0_lowered;
	[smem:$0x3FD2] =	sst s26  }
0x1e: {  	s5 =	sshll.u32 s27, $0x1;
	_ =	strace $0x80000049;
	[dreg:$0x1] =	wrdreg $0xFFFFFFFF  }
0x1f: {  	s28 =	simm.s32 $_size_execute0_lowered;
	s3 =	sadd.s32 s3, s5;
	[dreg:$0x0] =	wrdreg $0x0  }
0x20: {  	s5 =	sshll.u32 s28, $0x1;
	[dreg:$0x2] =	wrdreg s3  }
0x21: {  	[dreg:$0x3] =	wrdreg s5  }
0x22: {  	[dreg:$0x4] =	wrdreg $0xC0  }
0x23: {  	_ =	task [dreg:s7], $0x5FFFF  }
0x24: {  	[dreg:$0x1] =	wrdreg $0xFFFFFFFF  }
0x25: {  	[dreg:$0x0] =	wrdreg $0x60  }
0x26: {  	[dreg:$0x2] =	wrdreg s25  }
0x27: {  	[dreg:$0x3] =	wrdreg s2  }
0x28: {  	[dreg:$0x4] =	wrdreg $0x9  }
0x29: {  	_ =	task.clear_ibuf [dreg:s7], $0x5FFFF;
	_ =	strace $0x90000049  }
0x2a: {  	s29 =	simm.s32 $0x9;
	_ =	strace $0x8000004B  }
0x2b: {  	_ =	swait.ge [sflag:s29], $0x1  }
0x2c: {  	[sflag:s29] =	ssyncadd.s32 $0xFFFFFFFF  }
0x2d: {  	_ =	strace $0x9000004B  }
0x2e: {  	_ =	sfence  }
0x2f: {  	s30 =	sld [smem:$0x0];
	_ =	sdelay $0x2  }
0x30: {  	s31 =	sshll.u32 s1, $0xD;
	s1 =	sshrl.u32 s1, $0x2  }
0x31: {  	s3 =	sand.u32 $0x4000, s31;
	s1 =	sadd.s32 s1, s30  }
0x32: {  	s0 =	sor.u32 s3, s0;
	s1 =	sshll.u32 s1, $0x11  }
0x33: {  	s0 =	sor.u32 s1, s0  }
0x34: {  	s0 =	sadd.s32 $0x8F2B, s0  }
0x35: {  	[sflag:s0] =	ssyncadd.remote.s32 $0x1  }
0x36: {  	_ =	sfence.sel $0xFFFF  }
0x37: {  	[dreg:$0x0] =	wrdreg $0xFFFFFFFF;
	(pc) =	sbr.abs _section_cstart, $3  }
0x38: {  	[dreg:$0x1] =	wrdreg $0xFFFFFFFF  }
0x39: {  	_ =	task.clear_ibuf [dreg:s7], $0x2FFFF;
	_ =	strace $0x9FFFFFFF  }
0x3a: {  	(tm) =	ssettm $0x7FFFFFFF  }
0x3b: {  	_ =	shalt  }
tec
execute0_lowered:
.L_overlay_start_1:
0x0: {  	(tag) =	ssettag $0x1  }
0x1: {  	s0 =	stileid.u32;
	s6 =	rddreg [dreg:$0x0]  }
0x2: {  	s2 =	rddreg [dreg:$0x1];
	s5 =	srdreg.scid  }
0x3: {  	s31 =	simm.s32 $0x2;
	s13 =	simm.s32 $0x0;
	s1 =	sshll.u32 s0, $0x7  }
0x4: {  	s14 =	simm.s32 $0x0;
	s12 =	simm.s32 $0x0;
	s3 =	sand.u32 $0x380, s1  }
0x5: {  	s5 =	sshll.u32 s5, $0x4;
	s6 =	sadd.s32 $0x1200, s6;
	s4 =	ssub.s32 $0x400, s3  }
0x6: {  	s1 =	rddreg [dreg:$0x2];
	_ =	strace $0x8000004A;
	s7 =	sand.u32 $0x380, s4  }
0x7: {  	s5 =	sand.u32 $0x10, s5;
	p0 =	sne.s32 s7, $0x0;
	s7 =	simm.s32 $0x1  }
.Ltmp0:
0x8: {  	s8 =	sshrl.u32 s4, $0xA;
	s7 =	simm.s32 @!p0 $0x0;
	(pc) =	sbr.rel .LBB1_1-.Ltmp0, $4  }
0x9: {  	s9 =	sor.u32 s0, s5;
	s4 =	simm.s32 $0x1;
	s30 =	sadd.s32 s7, s8  }
0xa: {  	s11 =	smov.u32 s3;
	[sflag:s4] =	ssyncpa.u1 $0x0;
	s5 =	smul.u32 $0x32, s30  }
0xb: {  	[sflag:s31] =	ssyncpa.u1 $0x0;
	p0 =	por $0x0, $0x0;
	s7 =	sshrl.u32 s9, $0x3  }
0xc: {  	s9 =	simm.s32 $0x2000;
	s10 =	smov.u32 s7;
	s8 =	sor.u32 $0x1, s5  }
.LBB1_4:
0xd: {  	s17 =	sand.u32 $0x1F80, s14;
	s13 =	sshll.u32 s13, $0xD  }
0xe: {  	[tilespmem:s16+$0x810 ss:$0x81] =	vst.msk $0xffff, v2;
	s18 =	sshrl.u32 s14, $0x3;
	s31 =	sand.u32 $0x7, s14;
	s17 =	sadd.s32 s2, s17  }
0xf: {  	[tilespmem:s16+$0x1020 ss:$0x81] =	vst.msk $0xffff, v0;
	s18 =	sand.u32 $0xF, s18;
	s14 =	sshll.u32 s31, $0x12;
	s13 =	sadd.s32 s13, s17  }
0x10: {  	[tilespmem:s16+$0x0 ss:$0x81] =	vst.msk $0xffff, v1;
	s14 =	sor.u32 $0x400, s14;
	s13 =	sadd.s32 s18, s13  }
0x11: {  	[hbm4b:s13+s14] =	stream.strided.scatter [tilespmem:s15], [sflag:$0x2], $0x2000, s9, s14, $0x20;
	[tilespmem:$0x8080] =	vst v63  }
.LBB1_5:
0x12: {  	s15 =	sadd.s32 $0x4, s10  }
0x13: {  	s13 =	sadd.s32 $0x400, s11;
	s17 =	smov.u32 s11;
	p2 =	sgt.s32 s15, $0xC7  }
0x14: {  	s17 =	smov.u32 @p2 s13  }
0x15: {  	s15 =	smov.u32 @p2 s7;
	p2 =	sgt.s32 s17, $0x3FF  }
0x16: {  	s17 =	smov.u32 @p2 s3;
	p2 =	sne.s32 s12, s8  }
.Ltmp1:
0x17: {  	p1 =	slt.u32 s12, $0x2;
	(pc) =	sbr.rel @!p2 .LBB1_6-.Ltmp1, $4  }
0x18: {  	s16 =	simm.s32 @!p1 $0x2  }
0x19: {  	s14 =	smov.u32 s11;
	p0 =	por !p0, !p0;
	_ =	swait.ge @!p1 [sflag:s16], $0x2000  }
0x1a: {  	s13 =	smov.u32 s10;
	[sflag:s16] =	ssyncset.done @!p1 $0x0;
	s10 =	smov.u32 s15  }
0x1b: {  	s12 =	sadd.s32 $0x1, s12;
	[sflag:s16] =	ssyncadd.s32 @!p1 $0xFFFFE000;
	s11 =	smov.u32 s17  }
.LBB1_1:
0x1c: {  	p1 =	sge.u32 s12, s5  }
0x1d: {  	s15 =	sand.u32 @!p1 $0x1FFFFFF, s10  }
0x1e: {  	s16 =	smulhi.u32 @!p1 $0x147AE15, s15;
	_ =	sdelay $0x1  }
0x1f: {  	s16 =	smul.u32 @!p1 $0xC8, s16  }
0x20: {  	s17 =	sxor.u32 @!p1 $0xFFFFFFFF, s12;
	s18 =	smul.u32 @!p1 $0xC80, s11  }
0x21: {  	s31 =	sadd.s32 $0xFFFFFFFF, s12;
	s17 =	sshll.u32 @!p1 s17, $0xD;
	s15 =	ssub.s32 @!p1 s15, s16  }
0x22: {  	s16 =	sand.u32 @!p1 $0x2000, s17;
	s17 =	sadd.s32 @!p1 s6, s18;
	s15 =	sshll.u32 @!p1 s15, $0x4  }
0x23: {  	s18 =	simm.s32 @!p1 $0x6400;
	s15 =	sadd.s32 @!p1 s15, s17;
	s17 =	simm.s32 @!p1 $0x40  }
0x24: {  	[tilespmem:s16], [sflag:$0x1] =	stream.strided.gather @!p1 [hbm4b:s15+s17], $0x2000, s18, s17, $0x38;
	[tilespmem:$0x8080] =	vst v63  }
0x25: {  	p1 =	sge.u32 s31, s5  }
.Ltmp2:
0x26: {  	_ = 	snop;
	(pc) =	sbr.rel @p1 .LBB1_5-.Ltmp2, $1  }
0x27: {  	_ =	sdelay $0x3  }
0x28: {  	s15 =	simm.s32 $0x1  }
0x29: {  	_ =	swait.ge [sflag:s4], $0x2000;
	s15 =	simm.s32 @!p0 $0x0  }
0x2a: {  	[sflag:s4] =	ssyncset.done $0x0;
	s16 =	sshll.u32 s15, $0xD  }
0x2b: {  	[sflag:s4] =	ssyncadd.s32 $0xFFFFE000;
	s19 =	sor.u32 $0x20, s16  }
0x2c: {  	s15 =	smul.u32 $0x8100, s15;
	v3 =	vld [tilespmem:s19+$0x10]  }
0x2d: {  	s30 =	sand.u32 $0x1, s12;
	v2 =	vld [tilespmem:s19+$0xFFFFFFF0]  }
0x2e: {  	s16 =	smul.u32 $0x8100, s30;
	s15 =	sshrl.u32 s15, $0x2;
	v0 =	vld [tilespmem:s19+$0x0]  }
0x2f: {  	v1 =	vld [tilespmem:s19+$0xFFFFFFE0];
	s17 =	sor.u32 $0x4000, s15  }
0x30: {  	s31 =	sshrl.u32 s16, $0x2;
	s16 =	sadd.s32 $0x0, s17  }
0x31: {  	s18 =	simm.s32 $0x4;
	s19 =	sadd.s32 $0x40, s19;
	s15 =	sor.u32 $0x4000, s31;
	[tilespmem:s16+$0x1830 ss:$0x81] =	vst.msk $0xffff, v3  }
.LBB1_3:
0x32: {  	v3 =	vld [tilespmem:s19+$0x10];
	p1 =	sne.s32 s18, $0x1FC;
	[tilespmem:s16+$0x810 ss:$0x81] =	vst.msk $0xffff, v2;
	s20 =	smov.u32 s18;
	s18 =	sadd.s32 $0x4, s18  }
.Ltmp3:
0x33: {  	v2 =	vld [tilespmem:s19+$0xFFFFFFF0];
	[tilespmem:s16+$0x1020 ss:$0x81] =	vst.msk $0xffff, v0;
	(pc) =	sbr.rel @p1 .LBB1_3-.Ltmp3, $4  }
0x34: {  	v0 =	vld [tilespmem:s19+$0x0];
	[tilespmem:s16+$0x0 ss:$0x81] =	vst.msk $0xffff, v1  }
0x35: {  	s16 =	sshra.s32 s20, $0x2;
	v1 =	vld [tilespmem:s19+$0xFFFFFFE0]  }
0x36: {  	s16 =	sadd.s32 s16, s17  }
0x37: {  	s19 =	sadd.s32 $0x40, s19;
	[tilespmem:s16+$0x1830 ss:$0x81] =	vst.msk $0xffff, v3  }
.Ltmp4:
0x38: {  	_ = 	snop;
	(pc) =	sbr.rel .LBB1_4-.Ltmp4, $1  }
0x39: {  	_ =	sdelay $0x3  }
.LBB1_6:
0x3a: {  	_ =	sfence.sel $0x180000  }
0x3b: {  	s2 =	simm.s32 $0x1;
	[bflag:$0x0] =	sbarrier.arrive $0xFFFF  }
0x3c: {  	s31 =	simm.s32 $0x2;
	[sflag:s2] =	ssyncpa.u1 $0x1  }
0x3d: {  	[sflag:s31] =	ssyncpa.u1 $0x1  }
0x3e: {  	p0 =	sne.s32 s0, $0x0;
	_ =	strace $0x9000004A  }
0x3f: {  	s0 =	sadd.s32 @!p0 $0x100000, s1;
	[bflag:$0x2] =	sbarrier.arrive $0xFFFF  }
0x40: {  	[sflag:s0] =	ssyncadd.tile.s32 @!p0 $0x1;
	_ =	shalt  }
.Lfunc_end1:
_tile_overlayer_lowered:
.L_overlay_start_2:
0x41: {  	(tag) =	ssettag $0x2  }
0x42: {  	s0 =	rddreg [dreg:$0x0];
	s2 =	stileid.u32  }
0x43: {  	s1 =	rddreg [dreg:$0x1];
	p0 =	sne.s32 s2, $0x0  }
0x44: {  	s3 =	rddreg [dreg:$0x2];
	[bflag:$0x3] =	sbarrier.arrive $0xFFFF;
	s2 =	simm.s32 @!p0 $0x1C01  }
0x45: {  	[timem:s3], [sflag:s2] =	dma.local @!p0 [hbm:s0], s1  }
0x46: {  	s0 =	simm.s32 @!p0 $0x1  }
0x47: {  	_ =	swait.ge @!p0 [sflag:s0], s1  }
0x48: {  	s1 =	ssub.s32 @!p0 $0x0, s1;
	[sflag:s0] =	ssyncset.done @!p0 $0x0  }
0x49: {  	[sflag:s0] =	ssyncadd.s32 @!p0 s1  }
0x4a: {  	[bflag:$0x3] =	sbarrier.arrive $0xFFFF  }
0x4b: {  	_ =	shalt  }

</sc_bundles>
